<compile_context>
chip_gen: v7x
topology: tpu7x:2x2x1
jax: 0.10.2.dev20260603
libtpu: 0.0.44.dev20260713+nightly
codegen_flags: <defaults>
</compile_context>

<pallas_src>
import functools

import jax
import jax.numpy as jnp
from jax import lax
from jax.experimental import pallas as pl
from jax.experimental.pallas import tpu as pltpu
from jax.experimental.pallas import tpu_sc as plsc

_VOCAB = 100000
_EMB = 128
_B = 4096
_L = 50
_NV = _EMB // 16
_NC = 2
_NS = 16
_NW = _NC * _NS
_SEQ_PER_W = _B // _NW
_GTOK = 100
_NG = _SEQ_PER_W * _L // _GTOK
_K = 4
_NB = _NG // _K
_BLK_SEQ = _K * _GTOK // _L
_TAIL_BLK = 4096


@functools.partial(
    pl.kernel,
    out_type=jax.ShapeDtypeStruct((_B * _EMB,), jnp.float32),
    mesh=plsc.VectorSubcoreMesh(core_axis_name="c", subcore_axis_name="s",
                                num_cores=_NC, num_subcores=_NS),
    scratch_types=[
        pltpu.VMEM((_NG, _GTOK), jnp.int32),
        pltpu.VMEM((_K, _GTOK, _EMB), jnp.float32),
        pltpu.VMEM((_K, _GTOK, _EMB), jnp.float32),
        pltpu.VMEM((_SEQ_PER_W * _EMB,), jnp.float32),
        pltpu.SemaphoreType.DMA,
        pltpu.SemaphoreType.DMA,
    ],
    compiler_params=pltpu.CompilerParams(use_tc_tiling_on_sc=False),
)
def _sc_pool(seq_hbm, emb_hbm, out_hbm, idx_v, rows_a, rows_b, out_v,
             sem_a, sem_b):
    wid = lax.axis_index("s") * _NC + lax.axis_index("c")
    pltpu.sync_copy(seq_hbm.at[pl.ds(wid * _NG, _NG)], idx_v)

    def fire(blk, rows, sem):
        def body(j, carry):
            pltpu.async_copy(emb_hbm.at[idx_v.at[blk * _K + j]],
                             rows.at[j], sem)
            return carry

        lax.fori_loop(0, _K, body, 0)

    def drain(blk, rows, sem):
        def body(j, carry):
            pltpu.make_async_copy(emb_hbm.at[idx_v.at[blk * _K + j]],
                                  rows.at[j], sem).wait()
            return carry

        lax.fori_loop(0, _K, body, 0)

    def reduce_block(blk, rows):
        def seq_body(s, carry):
            g = s // 2
            half = (s % 2) * _L

            def add_body(t5, accs):
                new = []
                for v in range(_NV):
                    a = accs[v]
                    for u in range(5):
                        a = a + rows[g, half + t5 * 5 + u,
                                     pl.ds(v * 16, 16)]
                    new.append(a)
                return tuple(new)

            accs = lax.fori_loop(
                0, _L // 5, add_body,
                tuple(jnp.zeros((16,), jnp.float32) for _ in range(_NV)))
            row = (blk * _BLK_SEQ + s) * _EMB
            for v in range(_NV):
                out_v[pl.ds(row + v * 16, 16)] = accs[v]
            return carry

        lax.fori_loop(0, _BLK_SEQ, seq_body, 0)

    fire(0, rows_a, sem_a)

    def pipe_body(i, carry):
        b0 = 2 * i
        b1 = 2 * i + 1
        fire(b1, rows_b, sem_b)
        drain(b0, rows_a, sem_a)
        reduce_block(b0, rows_a)

        @pl.when(b1 + 1 < _NB)
        def _():
            fire(b1 + 1, rows_a, sem_a)

        drain(b1, rows_b, sem_b)
        reduce_block(b1, rows_b)
        return carry

    lax.fori_loop(0, _NB // 2, pipe_body, 0)
    pltpu.sync_copy(out_v,
                    out_hbm.at[pl.ds(wid * _SEQ_PER_W * _EMB,
                                     _SEQ_PER_W * _EMB)])


def _tail_body(s_ref, w_ref, b_ref, out_ref):
    s = s_ref[...].reshape(_TAIL_BLK, _EMB)
    logits = jnp.dot(s, w_ref[...],
                     preferred_element_type=jnp.float32) + b_ref[...]
    out_ref[...] = jax.nn.softmax(logits, axis=-1)


def _dense_tail(sums_flat, wt, b2):
    return pl.pallas_call(
        _tail_body,
        grid=(_B // _TAIL_BLK,),
        in_specs=[
            pl.BlockSpec((_TAIL_BLK * _EMB,), lambda i: (i,)),
            pl.BlockSpec((_EMB, 2), lambda i: (0, 0)),
            pl.BlockSpec((1, 2), lambda i: (0, 0)),
        ],
        out_specs=pl.BlockSpec((_TAIL_BLK, 2), lambda i: (i, 0)),
        out_shape=jax.ShapeDtypeStruct((_B, 2), jnp.float32),
    )(sums_flat, wt, b2)


def kernel(seq, emb, W, b):
    seq2 = seq.astype(jnp.int32).reshape(_NW * _NG, _GTOK)
    sums_flat = _sc_pool(seq2, emb)
    wt = W.T * (1.0 / _L)
    return _dense_tail(sums_flat, wt, b.reshape(1, 2))

# --- scband reference (transcript-rebuilt; emitter-appended) ---
"""Pipeline reference for scband-simple-mention-scorer-81252191305829 (READ-ONLY COPY).

The authoritative reference and input builder live on the scoring server;
editing this copy changes nothing except your own understanding.
"""

import jax, jax.numpy as jnp
import numpy as np

VOCAB = 100000
EMB = 128
B = 4096
L = 50

def setup_inputs(seed: int = 0) -> dict:
    key = jax.random.key(seed)
    k1, k2, k3, k4 = jax.random.split(key, 4)
    seq = jax.random.randint(k1, (B, L), 0, VOCAB, dtype=jnp.int64 if jax.config.jax_enable_x64 else jnp.int32)
    emb = jax.random.normal(k2, (VOCAB, EMB), dtype=jnp.float32)
    W = jax.random.normal(k3, (2, EMB), dtype=jnp.float32) * (1.0 / np.sqrt(EMB))
    b = jax.random.normal(k4, (2,), dtype=jnp.float32) * 0.01
    return {"seq": seq, "emb": emb, "W": W, "b": b}

def reference(seq, emb, W, b):
    # embedding lookup: [B, L, EMB]
    embedded = jnp.take(emb, seq, axis=0)
    # mean over sequence dim: [B, EMB]
    avg_embedded = jnp.mean(embedded, axis=1)
    # linear: [B, 2]
    logits = avg_embedded @ W.T + b
    return jax.nn.softmax(logits, axis=-1)

if __name__ == "__main__":
    import jax
    _d = setup_inputs()
    print(jax.jit(kernel)(*tuple(_d.values())))

</pallas_src>

<mosaic_0001>
#map = affine_map<(d0, d1) -> (0, 0)>
#map1 = affine_map<(d0, d1) -> (0)>
module attributes {stable_mosaic.version = 14 : i64} {
  func.func @_sc_pool(%arg0: i32, %arg1: i32, %arg2: memref<2048x100xi32, #tpu.memory_space<hbm>>, %arg3: memref<100000x128xf32, #tpu.memory_space<hbm>>, %arg4: memref<524288xf32, #tpu.memory_space<hbm>>, %arg5: memref<64x100xi32, #tpu.memory_space<vmem>>, %arg6: memref<4x100x128xf32, #tpu.memory_space<vmem>>, %arg7: memref<4x100x128xf32, #tpu.memory_space<vmem>>, %arg8: memref<16384xf32, #tpu.memory_space<vmem>>, %arg9: memref<!tpu.dma_semaphore, #tpu.memory_space<semaphore_mem>>, %arg10: memref<!tpu.dma_semaphore, #tpu.memory_space<semaphore_mem>>) attributes {dimension_semantics = [#tpu.dimension_semantics<core_parallel>, #tpu.dimension_semantics<subcore_parallel>], iteration_bounds = array<i64: 2, 16>, scalar_prefetch = 0 : i64, scratch_operands = 6 : i64, tpu.core_type = #tpu.core_type<sc_vector_subcore>, window_params = [{transform_indices = #map}, {transform_indices = #map}, {transform_indices = #map1}]} {
    %mul3A = arith.constant 2 : i32
    %mul3A_0 = arith.muli %arg1, %mul3A : i32
    %add3A = arith.addi %mul3A_0, %arg0 : i32
    %mul3A_1 = arith.constant 64 : i32
    %mul3A_2 = arith.muli %add3A, %mul3A_1 : i32
    "tpu.region"() ({
      %run_scoped3A = tpu.sem_alloc : memref<!tpu.dma_semaphore, #tpu.memory_space<semaphore_mem>>
      %dma_start3A = arith.constant 0 : i32
      %dma_start3A_18 = tpu.memref_slice %arg2[%mul3A_2, %dma_start3A] : memref<2048x100xi32, #tpu.memory_space<hbm>> -> memref<64x100xi32, #tpu.memory_space<hbm>>
      %dma_start3A_19 = arith.constant 0 : i32
      %dma_start3A_20 = tpu.memref_slice %arg2[%mul3A_2, %dma_start3A_19] : memref<2048x100xi32, #tpu.memory_space<hbm>> -> memref<64x100xi32, #tpu.memory_space<hbm>>
      tpu.enqueue_dma source(%dma_start3A_20 : memref<64x100xi32, #tpu.memory_space<hbm>>) target(%arg5 : memref<64x100xi32, #tpu.memory_space<vmem>>) target_semaphore(%run_scoped3A : memref<!tpu.dma_semaphore, #tpu.memory_space<semaphore_mem>>)
      %dma_wait3A = arith.constant 0 : i32
      %dma_wait3A_21 = tpu.memref_slice %arg2[%mul3A_2, %dma_wait3A] : memref<2048x100xi32, #tpu.memory_space<hbm>> -> memref<64x100xi32, #tpu.memory_space<hbm>>
      %dma_wait3A_22 = arith.constant 0 : i32
      %dma_wait3A_23 = tpu.memref_slice %arg2[%mul3A_2, %dma_wait3A_22] : memref<2048x100xi32, #tpu.memory_space<hbm>> -> memref<64x100xi32, #tpu.memory_space<hbm>>
      tpu.wait_dma2 semaphore(%run_scoped3A : memref<!tpu.dma_semaphore, #tpu.memory_space<semaphore_mem>>) src(%dma_wait3A_23 : memref<64x100xi32, #tpu.memory_space<hbm>>) dst(%arg5 : memref<64x100xi32, #tpu.memory_space<vmem>>)
      tpu.yield
    }) : () -> ()
    %scan3A = arith.constant 0 : i32
    %scan3A_3 = arith.constant 0 : i32
    %scan3A_4 = arith.constant 4 : i32
    %scan3A_5 = arith.addi %scan3A_3, %scan3A_4 : i32
    %scan3A_6 = arith.constant 1 : i32
    scf.for %scan3A_18 = %scan3A_3 to %scan3A_5 step %scan3A_6  : i32 {
      %add3A_19 = arith.constant 0 : i32
      %add3A_20 = arith.addi %add3A_19, %scan3A_18 : i32
      %dma_start3A = arith.constant 0 : i32
      %dma_start3A_21 = arith.constant 0 : i32
      %dma_start3A_22 = tpu.memref_slice %arg6[%scan3A_18, %dma_start3A, %dma_start3A_21] : memref<4x100x128xf32, #tpu.memory_space<vmem>> -> memref<1x100x128xf32, #tpu.memory_space<vmem>>
      %dma_start3A_23 = tpu.memref_squeeze %dma_start3A_22 : memref<1x100x128xf32, #tpu.memory_space<vmem>> -> memref<100x128xf32, #tpu.memory_space<vmem>>
      %dma_start3A_24 = arith.constant 0 : i32
      %dma_start3A_25 = tpu.memref_slice %arg5[%add3A_20, %dma_start3A_24] : memref<64x100xi32, #tpu.memory_space<vmem>> -> memref<1x100xi32, #tpu.memory_space<vmem>>
      %dma_start3A_26 = tpu.memref_squeeze %dma_start3A_25 : memref<1x100xi32, #tpu.memory_space<vmem>> -> memref<100xi32, #tpu.memory_space<vmem>>
      %dma_start3A_27 = arith.constant 0 : i32
      %dma_start3A_28 = arith.constant 0 : i32
      %dma_start3A_29 = tpu.memref_slice %arg3[%dma_start3A_27, %dma_start3A_28] : memref<100000x128xf32, #tpu.memory_space<hbm>> -> memref<100000x128xf32, #tpu.memory_space<hbm>>
      tpu.enqueue_indirect_dma source(%dma_start3A_29 : memref<100000x128xf32, #tpu.memory_space<hbm>>) target(%dma_start3A_23 : memref<100x128xf32, #tpu.memory_space<vmem>>) offsets(%dma_start3A_26 : memref<100xi32, #tpu.memory_space<vmem>>) semaphore(%arg9 : memref<!tpu.dma_semaphore, #tpu.memory_space<semaphore_mem>>)
    }
    %scan3A_7 = arith.constant 4 : i32
    %scan3A_8 = arith.constant 0 : i32
    %scan3A_9 = arith.constant 0 : i32
    %scan3A_10 = arith.constant 8 : i32
    %scan3A_11 = arith.addi %scan3A_9, %scan3A_10 : i32
    %scan3A_12 = arith.constant 1 : i32
    scf.for %scan3A_18 = %scan3A_9 to %scan3A_11 step %scan3A_12  : i32 {
      %mul3A_19 = arith.constant 2 : i32
      %mul3A_20 = arith.muli %mul3A_19, %scan3A_18 : i32
      %mul3A_21 = arith.constant 2 : i32
      %mul3A_22 = arith.muli %mul3A_21, %scan3A_18 : i32
      %add3A_23 = arith.constant 1 : i32
      %add3A_24 = arith.addi %mul3A_22, %add3A_23 : i32
      %scan3A_25 = arith.constant 0 : i32
      %scan3A_26 = arith.constant 0 : i32
      %scan3A_27 = arith.constant 4 : i32
      %scan3A_28 = arith.addi %scan3A_26, %scan3A_27 : i32
      %scan3A_29 = arith.constant 1 : i32
      scf.for %scan3A_59 = %scan3A_26 to %scan3A_28 step %scan3A_29  : i32 {
        %mul3A_60 = arith.constant 4 : i32
        %mul3A_61 = arith.muli %add3A_24, %mul3A_60 : i32
        %add3A_62 = arith.addi %mul3A_61, %scan3A_59 : i32
        %dma_start3A = arith.constant 0 : i32
        %dma_start3A_63 = arith.constant 0 : i32
        %dma_start3A_64 = tpu.memref_slice %arg7[%scan3A_59, %dma_start3A, %dma_start3A_63] : memref<4x100x128xf32, #tpu.memory_space<vmem>> -> memref<1x100x128xf32, #tpu.memory_space<vmem>>
        %dma_start3A_65 = tpu.memref_squeeze %dma_start3A_64 : memref<1x100x128xf32, #tpu.memory_space<vmem>> -> memref<100x128xf32, #tpu.memory_space<vmem>>
        %dma_start3A_66 = arith.constant 0 : i32
        %dma_start3A_67 = tpu.memref_slice %arg5[%add3A_62, %dma_start3A_66] : memref<64x100xi32, #tpu.memory_space<vmem>> -> memref<1x100xi32, #tpu.memory_space<vmem>>
        %dma_start3A_68 = tpu.memref_squeeze %dma_start3A_67 : memref<1x100xi32, #tpu.memory_space<vmem>> -> memref<100xi32, #tpu.memory_space<vmem>>
        %dma_start3A_69 = arith.constant 0 : i32
        %dma_start3A_70 = arith.constant 0 : i32
        %dma_start3A_71 = tpu.memref_slice %arg3[%dma_start3A_69, %dma_start3A_70] : memref<100000x128xf32, #tpu.memory_space<hbm>> -> memref<100000x128xf32, #tpu.memory_space<hbm>>
        tpu.enqueue_indirect_dma source(%dma_start3A_71 : memref<100000x128xf32, #tpu.memory_space<hbm>>) target(%dma_start3A_65 : memref<100x128xf32, #tpu.memory_space<vmem>>) offsets(%dma_start3A_68 : memref<100xi32, #tpu.memory_space<vmem>>) semaphore(%arg10 : memref<!tpu.dma_semaphore, #tpu.memory_space<semaphore_mem>>)
      }
      %scan3A_30 = arith.constant 4 : i32
      %scan3A_31 = arith.constant 0 : i32
      %scan3A_32 = arith.constant 0 : i32
      %scan3A_33 = arith.constant 4 : i32
      %scan3A_34 = arith.addi %scan3A_32, %scan3A_33 : i32
      %scan3A_35 = arith.constant 1 : i32
      scf.for %scan3A_59 = %scan3A_32 to %scan3A_34 step %scan3A_35  : i32 {
        %mul3A_60 = arith.constant 4 : i32
        %mul3A_61 = arith.muli %mul3A_20, %mul3A_60 : i32
        %add3A_62 = arith.addi %mul3A_61, %scan3A_59 : i32
        %dma_wait3A = arith.constant 0 : i32
        %dma_wait3A_63 = arith.constant 0 : i32
        %dma_wait3A_64 = tpu.memref_slice %arg6[%scan3A_59, %dma_wait3A, %dma_wait3A_63] : memref<4x100x128xf32, #tpu.memory_space<vmem>> -> memref<1x100x128xf32, #tpu.memory_space<vmem>>
        %dma_wait3A_65 = tpu.memref_squeeze %dma_wait3A_64 : memref<1x100x128xf32, #tpu.memory_space<vmem>> -> memref<100x128xf32, #tpu.memory_space<vmem>>
        %dma_wait3A_66 = arith.constant 0 : i32
        %dma_wait3A_67 = tpu.memref_slice %arg5[%add3A_62, %dma_wait3A_66] : memref<64x100xi32, #tpu.memory_space<vmem>> -> memref<1x100xi32, #tpu.memory_space<vmem>>
        %dma_wait3A_68 = tpu.memref_squeeze %dma_wait3A_67 : memref<1x100xi32, #tpu.memory_space<vmem>> -> memref<100xi32, #tpu.memory_space<vmem>>
        %dma_wait3A_69 = arith.constant 0 : i32
        %dma_wait3A_70 = arith.constant 0 : i32
        %dma_wait3A_71 = tpu.memref_slice %arg3[%dma_wait3A_69, %dma_wait3A_70] : memref<100000x128xf32, #tpu.memory_space<hbm>> -> memref<100000x128xf32, #tpu.memory_space<hbm>>
        tpu.wait_indirect_dma semaphore(%arg9 : memref<!tpu.dma_semaphore, #tpu.memory_space<semaphore_mem>>) src(%dma_wait3A_71 : memref<100000x128xf32, #tpu.memory_space<hbm>>) dst(%dma_wait3A_65 : memref<100x128xf32, #tpu.memory_space<vmem>>)
      }
      %scan3A_36 = arith.constant 4 : i32
      %scan3A_37 = arith.constant 0 : i32
      %scan3A_38 = arith.constant 0 : i32
      %scan3A_39 = arith.constant 8 : i32
      %scan3A_40 = arith.addi %scan3A_38, %scan3A_39 : i32
      %scan3A_41 = arith.constant 1 : i32
      scf.for %scan3A_59 = %scan3A_38 to %scan3A_40 step %scan3A_41  : i32 {
        %jit3A = arith.constant 2 : i32
        %div3A = arith.divsi %scan3A_59, %jit3A : i32
        %sign3A = arith.constant 0 : i32
        %sign3A_60 = arith.cmpi sgt, %scan3A_59, %sign3A : i32
        %sign3A_61 = arith.extui %sign3A_60 : i1 to i32
        %sign3A_62 = arith.constant 0 : i32
        %sign3A_63 = arith.cmpi slt, %scan3A_59, %sign3A_62 : i32
        %sign3A_64 = arith.extui %sign3A_63 : i1 to i32
        %sign3A_65 = arith.subi %sign3A_61, %sign3A_64 : i32
        %sign3A_66 = arith.constant 0 : i32
        %sign3A_67 = arith.cmpi sgt, %jit3A, %sign3A_66 : i32
        %sign3A_68 = arith.extui %sign3A_67 : i1 to i32
        %sign3A_69 = arith.constant 0 : i32
        %sign3A_70 = arith.cmpi slt, %jit3A, %sign3A_69 : i32
        %sign3A_71 = arith.extui %sign3A_70 : i1 to i32
        %sign3A_72 = arith.subi %sign3A_68, %sign3A_71 : i32
        %ne3A = arith.cmpi ne, %sign3A_65, %sign3A_72 : i32
        %rem3A = arith.remsi %scan3A_59, %jit3A : i32
        %ne3A_73 = arith.constant 0 : i32
        %ne3A_74 = arith.cmpi ne, %rem3A, %ne3A_73 : i32
        %and3A = arith.andi %ne3A, %ne3A_74 : i1
        %sub3A = arith.constant 1 : i32
        %sub3A_75 = arith.subi %div3A, %sub3A : i32
        %select_n3A = arith.select %and3A, %sub3A_75, %div3A : i32
        %jit3A_76 = arith.constant 2 : i32
        %eq3A = arith.constant 0 : i32
        %eq3A_77 = arith.cmpi eq, %jit3A_76, %eq3A : i32
        %jit3A_78 = arith.constant 1 : i32
        %select_n3A_79 = arith.select %eq3A_77, %jit3A_78, %jit3A_76 : i32
        %rem3A_80 = arith.remsi %scan3A_59, %select_n3A_79 : i32
        %ne3A_81 = arith.constant 0 : i32
        %ne3A_82 = arith.cmpi ne, %rem3A_80, %ne3A_81 : i32
        %lt3A_83 = arith.constant 0 : i32
        %lt3A_84 = arith.cmpi slt, %rem3A_80, %lt3A_83 : i32
        %lt3A_85 = arith.constant 0 : i32
        %lt3A_86 = arith.cmpi slt, %select_n3A_79, %lt3A_85 : i32
        %ne3A_87 = arith.xori %lt3A_84, %lt3A_86 : i1
        %and3A_88 = arith.andi %ne3A_87, %ne3A_82 : i1
        %add3A_89 = arith.addi %rem3A_80, %select_n3A_79 : i32
        %select_n3A_90 = arith.select %and3A_88, %add3A_89, %rem3A_80 : i32
        %mul3A_91 = arith.constant 50 : i32
        %mul3A_92 = arith.muli %select_n3A_90, %mul3A_91 : i32
        %broadcast_in_dim3A = arith.constant 0.000000e+00 : f32
        %broadcast_in_dim3A_93 = vector.broadcast %broadcast_in_dim3A : f32 to vector<16xf32>
        %broadcast_in_dim3A_94 = arith.constant 0.000000e+00 : f32
        %broadcast_in_dim3A_95 = vector.broadcast %broadcast_in_dim3A_94 : f32 to vector<16xf32>
        %broadcast_in_dim3A_96 = arith.constant 0.000000e+00 : f32
        %broadcast_in_dim3A_97 = vector.broadcast %broadcast_in_dim3A_96 : f32 to vector<16xf32>
        %broadcast_in_dim3A_98 = arith.constant 0.000000e+00 : f32
        %broadcast_in_dim3A_99 = vector.broadcast %broadcast_in_dim3A_98 : f32 to vector<16xf32>
        %broadcast_in_dim3A_100 = arith.constant 0.000000e+00 : f32
        %broadcast_in_dim3A_101 = vector.broadcast %broadcast_in_dim3A_100 : f32 to vector<16xf32>
        %broadcast_in_dim3A_102 = arith.constant 0.000000e+00 : f32
        %broadcast_in_dim3A_103 = vector.broadcast %broadcast_in_dim3A_102 : f32 to vector<16xf32>
        %broadcast_in_dim3A_104 = arith.constant 0.000000e+00 : f32
        %broadcast_in_dim3A_105 = vector.broadcast %broadcast_in_dim3A_104 : f32 to vector<16xf32>
        %broadcast_in_dim3A_106 = arith.constant 0.000000e+00 : f32
        %broadcast_in_dim3A_107 = vector.broadcast %broadcast_in_dim3A_106 : f32 to vector<16xf32>
        %scan3A_108 = arith.constant 0 : i32
        %scan3A_109 = arith.constant 10 : i32
        %scan3A_110 = arith.addi %scan3A_108, %scan3A_109 : i32
        %scan3A_111 = arith.constant 1 : i32
        %scan3A_112:8 = scf.for %scan3A_166 = %scan3A_108 to %scan3A_110 step %scan3A_111 iter_args(%scan3A_167 = %broadcast_in_dim3A_93, %scan3A_168 = %broadcast_in_dim3A_95, %scan3A_169 = %broadcast_in_dim3A_97, %scan3A_170 = %broadcast_in_dim3A_99, %scan3A_171 = %broadcast_in_dim3A_101, %scan3A_172 = %broadcast_in_dim3A_103, %scan3A_173 = %broadcast_in_dim3A_105, %scan3A_174 = %broadcast_in_dim3A_107) -> (vector<16xf32>, vector<16xf32>, vector<16xf32>, vector<16xf32>, vector<16xf32>, vector<16xf32>, vector<16xf32>, vector<16xf32>)  : i32 {
          %mul3A_175 = arith.constant 5 : i32
          %mul3A_176 = arith.muli %scan3A_166, %mul3A_175 : i32
          %add3A_177 = arith.addi %mul3A_92, %mul3A_176 : i32
          %add3A_178 = arith.constant 0 : i32
          %add3A_179 = arith.addi %add3A_177, %add3A_178 : i32
          %get3A = arith.index_cast %select_n3A : i32 to index
          %get3A_180 = arith.index_cast %add3A_179 : i32 to index
          %get3A_181 = arith.constant 0 : index
          %get3A_182 = tpu.vector_load %arg6[%get3A, %get3A_180, %get3A_181] {strides = array<i32>} : memref<4x100x128xf32, #tpu.memory_space<vmem>>, vector<1x1x16xf32>,
          %get3A_183 = vector.shape_cast %get3A_182 : vector<1x1x16xf32> to vector<16xf32>
          %add3A_184 = arith.addf %scan3A_167, %get3A_183 : vector<16xf32>
          %mul3A_185 = arith.constant 5 : i32
          %mul3A_186 = arith.muli %scan3A_166, %mul3A_185 : i32
          %add3A_187 = arith.addi %mul3A_92, %mul3A_186 : i32
          %add3A_188 = arith.constant 1 : i32
          %add3A_189 = arith.addi %add3A_187, %add3A_188 : i32
          %get3A_190 = arith.index_cast %select_n3A : i32 to index
          %get3A_191 = arith.index_cast %add3A_189 : i32 to index
          %get3A_192 = arith.constant 0 : index
          %get3A_193 = tpu.vector_load %arg6[%get3A_190, %get3A_191, %get3A_192] {strides = array<i32>} : memref<4x100x128xf32, #tpu.memory_space<vmem>>, vector<1x1x16xf32>,
          %get3A_194 = vector.shape_cast %get3A_193 : vector<1x1x16xf32> to vector<16xf32>
          %add3A_195 = arith.addf %add3A_184, %get3A_194 : vector<16xf32>
          %mul3A_196 = arith.constant 5 : i32
          %mul3A_197 = arith.muli %scan3A_166, %mul3A_196 : i32
          %add3A_198 = arith.addi %mul3A_92, %mul3A_197 : i32
          %add3A_199 = arith.constant 2 : i32
          %add3A_200 = arith.addi %add3A_198, %add3A_199 : i32
          %get3A_201 = arith.index_cast %select_n3A : i32 to index
          %get3A_202 = arith.index_cast %add3A_200 : i32 to index
          %get3A_203 = arith.constant 0 : index
          %get3A_204 = tpu.vector_load %arg6[%get3A_201, %get3A_202, %get3A_203] {strides = array<i32>} : memref<4x100x128xf32, #tpu.memory_space<vmem>>, vector<1x1x16xf32>,
          %get3A_205 = vector.shape_cast %get3A_204 : vector<1x1x16xf32> to vector<16xf32>
          %add3A_206 = arith.addf %add3A_195, %get3A_205 : vector<16xf32>
          %mul3A_207 = arith.constant 5 : i32
          %mul3A_208 = arith.muli %scan3A_166, %mul3A_207 : i32
          %add3A_209 = arith.addi %mul3A_92, %mul3A_208 : i32
          %add3A_210 = arith.constant 3 : i32
          %add3A_211 = arith.addi %add3A_209, %add3A_210 : i32
          %get3A_212 = arith.index_cast %select_n3A : i32 to index
          %get3A_213 = arith.index_cast %add3A_211 : i32 to index
          %get3A_214 = arith.constant 0 : index
          %get3A_215 = tpu.vector_load %arg6[%get3A_212, %get3A_213, %get3A_214] {strides = array<i32>} : memref<4x100x128xf32, #tpu.memory_space<vmem>>, vector<1x1x16xf32>,
          %get3A_216 = vector.shape_cast %get3A_215 : vector<1x1x16xf32> to vector<16xf32>
          %add3A_217 = arith.addf %add3A_206, %get3A_216 : vector<16xf32>
          %mul3A_218 = arith.constant 5 : i32
          %mul3A_219 = arith.muli %scan3A_166, %mul3A_218 : i32
          %add3A_220 = arith.addi %mul3A_92, %mul3A_219 : i32
          %add3A_221 = arith.constant 4 : i32
          %add3A_222 = arith.addi %add3A_220, %add3A_221 : i32
          %get3A_223 = arith.index_cast %select_n3A : i32 to index
          %get3A_224 = arith.index_cast %add3A_222 : i32 to index
          %get3A_225 = arith.constant 0 : index
          %get3A_226 = tpu.vector_load %arg6[%get3A_223, %get3A_224, %get3A_225] {strides = array<i32>} : memref<4x100x128xf32, #tpu.memory_space<vmem>>, vector<1x1x16xf32>,
          %get3A_227 = vector.shape_cast %get3A_226 : vector<1x1x16xf32> to vector<16xf32>
          %add3A_228 = arith.addf %add3A_217, %get3A_227 : vector<16xf32>
          %mul3A_229 = arith.constant 5 : i32
          %mul3A_230 = arith.muli %scan3A_166, %mul3A_229 : i32
          %add3A_231 = arith.addi %mul3A_92, %mul3A_230 : i32
          %add3A_232 = arith.constant 0 : i32
          %add3A_233 = arith.addi %add3A_231, %add3A_232 : i32
          %get3A_234 = arith.index_cast %select_n3A : i32 to index
          %get3A_235 = arith.index_cast %add3A_233 : i32 to index
          %get3A_236 = arith.constant 16 : index
          %get3A_237 = tpu.vector_load %arg6[%get3A_234, %get3A_235, %get3A_236] {strides = array<i32>} : memref<4x100x128xf32, #tpu.memory_space<vmem>>, vector<1x1x16xf32>,
          %get3A_238 = vector.shape_cast %get3A_237 : vector<1x1x16xf32> to vector<16xf32>
          %add3A_239 = arith.addf %scan3A_168, %get3A_238 : vector<16xf32>
          %mul3A_240 = arith.constant 5 : i32
          %mul3A_241 = arith.muli %scan3A_166, %mul3A_240 : i32
          %add3A_242 = arith.addi %mul3A_92, %mul3A_241 : i32
          %add3A_243 = arith.constant 1 : i32
          %add3A_244 = arith.addi %add3A_242, %add3A_243 : i32
          %get3A_245 = arith.index_cast %select_n3A : i32 to index
          %get3A_246 = arith.index_cast %add3A_244 : i32 to index
          %get3A_247 = arith.constant 16 : index
          %get3A_248 = tpu.vector_load %arg6[%get3A_245, %get3A_246, %get3A_247] {strides = array<i32>} : memref<4x100x128xf32, #tpu.memory_space<vmem>>, vector<1x1x16xf32>,
          %get3A_249 = vector.shape_cast %get3A_248 : vector<1x1x16xf32> to vector<16xf32>
          %add3A_250 = arith.addf %add3A_239, %get3A_249 : vector<16xf32>
          %mul3A_251 = arith.constant 5 : i32
          %mul3A_252 = arith.muli %scan3A_166, %mul3A_251 : i32
          %add3A_253 = arith.addi %mul3A_92, %mul3A_252 : i32
          %add3A_254 = arith.constant 2 : i32
          %add3A_255 = arith.addi %add3A_253, %add3A_254 : i32
          %get3A_256 = arith.index_cast %select_n3A : i32 to index
          %get3A_257 = arith.index_cast %add3A_255 : i32 to index
          %get3A_258 = arith.constant 16 : index
          %get3A_259 = tpu.vector_load %arg6[%get3A_256, %get3A_257, %get3A_258] {strides = array<i32>} : memref<4x100x128xf32, #tpu.memory_space<vmem>>, vector<1x1x16xf32>,
          %get3A_260 = vector.shape_cast %get3A_259 : vector<1x1x16xf32> to vector<16xf32>
          %add3A_261 = arith.addf %add3A_250, %get3A_260 : vector<16xf32>
          %mul3A_262 = arith.constant 5 : i32
          %mul3A_263 = arith.muli %scan3A_166, %mul3A_262 : i32
          %add3A_264 = arith.addi %mul3A_92, %mul3A_263 : i32
          %add3A_265 = arith.constant 3 : i32
          %add3A_266 = arith.addi %add3A_264, %add3A_265 : i32
          %get3A_267 = arith.index_cast %select_n3A : i32 to index
          %get3A_268 = arith.index_cast %add3A_266 : i32 to index
          %get3A_269 = arith.constant 16 : index
          %get3A_270 = tpu.vector_load %arg6[%get3A_267, %get3A_268, %get3A_269] {strides = array<i32>} : memref<4x100x128xf32, #tpu.memory_space<vmem>>, vector<1x1x16xf32>,
          %get3A_271 = vector.shape_cast %get3A_270 : vector<1x1x16xf32> to vector<16xf32>
          %add3A_272 = arith.addf %add3A_261, %get3A_271 : vector<16xf32>
          %mul3A_273 = arith.constant 5 : i32
          %mul3A_274 = arith.muli %scan3A_166, %mul3A_273 : i32
          %add3A_275 = arith.addi %mul3A_92, %mul3A_274 : i32
          %add3A_276 = arith.constant 4 : i32
          %add3A_277 = arith.addi %add3A_275, %add3A_276 : i32
          %get3A_278 = arith.index_cast %select_n3A : i32 to index
          %get3A_279 = arith.index_cast %add3A_277 : i32 to index
          %get3A_280 = arith.constant 16 : index
          %get3A_281 = tpu.vector_load %arg6[%get3A_278, %get3A_279, %get3A_280] {strides = array<i32>} : memref<4x100x128xf32, #tpu.memory_space<vmem>>, vector<1x1x16xf32>,
          %get3A_282 = vector.shape_cast %get3A_281 : vector<1x1x16xf32> to vector<16xf32>
          %add3A_283 = arith.addf %add3A_272, %get3A_282 : vector<16xf32>
          %mul3A_284 = arith.constant 5 : i32
          %mul3A_285 = arith.muli %scan3A_166, %mul3A_284 : i32
          %add3A_286 = arith.addi %mul3A_92, %mul3A_285 : i32
          %add3A_287 = arith.constant 0 : i32
          %add3A_288 = arith.addi %add3A_286, %add3A_287 : i32
          %get3A_289 = arith.index_cast %select_n3A : i32 to index
          %get3A_290 = arith.index_cast %add3A_288 : i32 to index
          %get3A_291 = arith.constant 32 : index
          %get3A_292 = tpu.vector_load %arg6[%get3A_289, %get3A_290, %get3A_291] {strides = array<i32>} : memref<4x100x128xf32, #tpu.memory_space<vmem>>, vector<1x1x16xf32>,
          %get3A_293 = vector.shape_cast %get3A_292 : vector<1x1x16xf32> to vector<16xf32>
          %add3A_294 = arith.addf %scan3A_169, %get3A_293 : vector<16xf32>
          %mul3A_295 = arith.constant 5 : i32
          %mul3A_296 = arith.muli %scan3A_166, %mul3A_295 : i32
          %add3A_297 = arith.addi %mul3A_92, %mul3A_296 : i32
          %add3A_298 = arith.constant 1 : i32
          %add3A_299 = arith.addi %add3A_297, %add3A_298 : i32
          %get3A_300 = arith.index_cast %select_n3A : i32 to index
          %get3A_301 = arith.index_cast %add3A_299 : i32 to index
          %get3A_302 = arith.constant 32 : index
          %get3A_303 = tpu.vector_load %arg6[%get3A_300, %get3A_301, %get3A_302] {strides = array<i32>} : memref<4x100x128xf32, #tpu.memory_space<vmem>>, vector<1x1x16xf32>,
          %get3A_304 = vector.shape_cast %get3A_303 : vector<1x1x16xf32> to vector<16xf32>
          %add3A_305 = arith.addf %add3A_294, %get3A_304 : vector<16xf32>
          %mul3A_306 = arith.constant 5 : i32
          %mul3A_307 = arith.muli %scan3A_166, %mul3A_306 : i32
          %add3A_308 = arith.addi %mul3A_92, %mul3A_307 : i32
          %add3A_309 = arith.constant 2 : i32
          %add3A_310 = arith.addi %add3A_308, %add3A_309 : i32
          %get3A_311 = arith.index_cast %select_n3A : i32 to index
          %get3A_312 = arith.index_cast %add3A_310 : i32 to index
          %get3A_313 = arith.constant 32 : index
          %get3A_314 = tpu.vector_load %arg6[%get3A_311, %get3A_312, %get3A_313] {strides = array<i32>} : memref<4x100x128xf32, #tpu.memory_space<vmem>>, vector<1x1x16xf32>,
          %get3A_315 = vector.shape_cast %get3A_314 : vector<1x1x16xf32> to vector<16xf32>
          %add3A_316 = arith.addf %add3A_305, %get3A_315 : vector<16xf32>
          %mul3A_317 = arith.constant 5 : i32
          %mul3A_318 = arith.muli %scan3A_166, %mul3A_317 : i32
          %add3A_319 = arith.addi %mul3A_92, %mul3A_318 : i32
          %add3A_320 = arith.constant 3 : i32
          %add3A_321 = arith.addi %add3A_319, %add3A_320 : i32
          %get3A_322 = arith.index_cast %select_n3A : i32 to index
          %get3A_323 = arith.index_cast %add3A_321 : i32 to index
          %get3A_324 = arith.constant 32 : index
          %get3A_325 = tpu.vector_load %arg6[%get3A_322, %get3A_323, %get3A_324] {strides = array<i32>} : memref<4x100x128xf32, #tpu.memory_space<vmem>>, vector<1x1x16xf32>,
          %get3A_326 = vector.shape_cast %get3A_325 : vector<1x1x16xf32> to vector<16xf32>
          %add3A_327 = arith.addf %add3A_316, %get3A_326 : vector<16xf32>
          %mul3A_328 = arith.constant 5 : i32
          %mul3A_329 = arith.muli %scan3A_166, %mul3A_328 : i32
          %add3A_330 = arith.addi %mul3A_92, %mul3A_329 : i32
          %add3A_331 = arith.constant 4 : i32
          %add3A_332 = arith.addi %add3A_330, %add3A_331 : i32
          %get3A_333 = arith.index_cast %select_n3A : i32 to index
          %get3A_334 = arith.index_cast %add3A_332 : i32 to index
          %get3A_335 = arith.constant 32 : index
          %get3A_336 = tpu.vector_load %arg6[%get3A_333, %get3A_334, %get3A_335] {strides = array<i32>} : memref<4x100x128xf32, #tpu.memory_space<vmem>>, vector<1x1x16xf32>,
          %get3A_337 = vector.shape_cast %get3A_336 : vector<1x1x16xf32> to vector<16xf32>
          %add3A_338 = arith.addf %add3A_327, %get3A_337 : vector<16xf32>
          %mul3A_339 = arith.constant 5 : i32
          %mul3A_340 = arith.muli %scan3A_166, %mul3A_339 : i32
          %add3A_341 = arith.addi %mul3A_92, %mul3A_340 : i32
          %add3A_342 = arith.constant 0 : i32
          %add3A_343 = arith.addi %add3A_341, %add3A_342 : i32
          %get3A_344 = arith.index_cast %select_n3A : i32 to index
          %get3A_345 = arith.index_cast %add3A_343 : i32 to index
          %get3A_346 = arith.constant 48 : index
          %get3A_347 = tpu.vector_load %arg6[%get3A_344, %get3A_345, %get3A_346] {strides = array<i32>} : memref<4x100x128xf32, #tpu.memory_space<vmem>>, vector<1x1x16xf32>,
          %get3A_348 = vector.shape_cast %get3A_347 : vector<1x1x16xf32> to vector<16xf32>
          %add3A_349 = arith.addf %scan3A_170, %get3A_348 : vector<16xf32>
          %mul3A_350 = arith.constant 5 : i32
          %mul3A_351 = arith.muli %scan3A_166, %mul3A_350 : i32
          %add3A_352 = arith.addi %mul3A_92, %mul3A_351 : i32
          %add3A_353 = arith.constant 1 : i32
          %add3A_354 = arith.addi %add3A_352, %add3A_353 : i32
          %get3A_355 = arith.index_cast %select_n3A : i32 to index
          %get3A_356 = arith.index_cast %add3A_354 : i32 to index
          %get3A_357 = arith.constant 48 : index
          %get3A_358 = tpu.vector_load %arg6[%get3A_355, %get3A_356, %get3A_357] {strides = array<i32>} : memref<4x100x128xf32, #tpu.memory_space<vmem>>, vector<1x1x16xf32>,
          %get3A_359 = vector.shape_cast %get3A_358 : vector<1x1x16xf32> to vector<16xf32>
          %add3A_360 = arith.addf %add3A_349, %get3A_359 : vector<16xf32>
          %mul3A_361 = arith.constant 5 : i32
          %mul3A_362 = arith.muli %scan3A_166, %mul3A_361 : i32
          %add3A_363 = arith.addi %mul3A_92, %mul3A_362 : i32
          %add3A_364 = arith.constant 2 : i32
          %add3A_365 = arith.addi %add3A_363, %add3A_364 : i32
          %get3A_366 = arith.index_cast %select_n3A : i32 to index
          %get3A_367 = arith.index_cast %add3A_365 : i32 to index
          %get3A_368 = arith.constant 48 : index
          %get3A_369 = tpu.vector_load %arg6[%get3A_366, %get3A_367, %get3A_368] {strides = array<i32>} : memref<4x100x128xf32, #tpu.memory_space<vmem>>, vector<1x1x16xf32>,
          %get3A_370 = vector.shape_cast %get3A_369 : vector<1x1x16xf32> to vector<16xf32>
          %add3A_371 = arith.addf %add3A_360, %get3A_370 : vector<16xf32>
          %mul3A_372 = arith.constant 5 : i32
          %mul3A_373 = arith.muli %scan3A_166, %mul3A_372 : i32
          %add3A_374 = arith.addi %mul3A_92, %mul3A_373 : i32
          %add3A_375 = arith.constant 3 : i32
          %add3A_376 = arith.addi %add3A_374, %add3A_375 : i32
          %get3A_377 = arith.index_cast %select_n3A : i32 to index
          %get3A_378 = arith.index_cast %add3A_376 : i32 to index
          %get3A_379 = arith.constant 48 : index
          %get3A_380 = tpu.vector_load %arg6[%get3A_377, %get3A_378, %get3A_379] {strides = array<i32>} : memref<4x100x128xf32, #tpu.memory_space<vmem>>, vector<1x1x16xf32>,
          %get3A_381 = vector.shape_cast %get3A_380 : vector<1x1x16xf32> to vector<16xf32>
          %add3A_382 = arith.addf %add3A_371, %get3A_381 : vector<16xf32>
          %mul3A_383 = arith.constant 5 : i32
          %mul3A_384 = arith.muli %scan3A_166, %mul3A_383 : i32
          %add3A_385 = arith.addi %mul3A_92, %mul3A_384 : i32
          %add3A_386 = arith.constant 4 : i32
          %add3A_387 = arith.addi %add3A_385, %add3A_386 : i32
          %get3A_388 = arith.index_cast %select_n3A : i32 to index
          %get3A_389 = arith.index_cast %add3A_387 : i32 to index
          %get3A_390 = arith.constant 48 : index
          %get3A_391 = tpu.vector_load %arg6[%get3A_388, %get3A_389, %get3A_390] {strides = array<i32>} : memref<4x100x128xf32, #tpu.memory_space<vmem>>, vector<1x1x16xf32>,
          %get3A_392 = vector.shape_cast %get3A_391 : vector<1x1x16xf32> to vector<16xf32>
          %add3A_393 = arith.addf %add3A_382, %get3A_392 : vector<16xf32>
          %mul3A_394 = arith.constant 5 : i32
          %mul3A_395 = arith.muli %scan3A_166, %mul3A_394 : i32
          %add3A_396 = arith.addi %mul3A_92, %mul3A_395 : i32
          %add3A_397 = arith.constant 0 : i32
          %add3A_398 = arith.addi %add3A_396, %add3A_397 : i32
          %get3A_399 = arith.index_cast %select_n3A : i32 to index
          %get3A_400 = arith.index_cast %add3A_398 : i32 to index
          %get3A_401 = arith.constant 64 : index
          %get3A_402 = tpu.vector_load %arg6[%get3A_399, %get3A_400, %get3A_401] {strides = array<i32>} : memref<4x100x128xf32, #tpu.memory_space<vmem>>, vector<1x1x16xf32>,
          %get3A_403 = vector.shape_cast %get3A_402 : vector<1x1x16xf32> to vector<16xf32>
          %add3A_404 = arith.addf %scan3A_171, %get3A_403 : vector<16xf32>
          %mul3A_405 = arith.constant 5 : i32
          %mul3A_406 = arith.muli %scan3A_166, %mul3A_405 : i32
          %add3A_407 = arith.addi %mul3A_92, %mul3A_406 : i32
          %add3A_408 = arith.constant 1 : i32
          %add3A_409 = arith.addi %add3A_407, %add3A_408 : i32
          %get3A_410 = arith.index_cast %select_n3A : i32 to index
          %get3A_411 = arith.index_cast %add3A_409 : i32 to index
          %get3A_412 = arith.constant 64 : index
          %get3A_413 = tpu.vector_load %arg6[%get3A_410, %get3A_411, %get3A_412] {strides = array<i32>} : memref<4x100x128xf32, #tpu.memory_space<vmem>>, vector<1x1x16xf32>,
          %get3A_414 = vector.shape_cast %get3A_413 : vector<1x1x16xf32> to vector<16xf32>
          %add3A_415 = arith.addf %add3A_404, %get3A_414 : vector<16xf32>
          %mul3A_416 = arith.constant 5 : i32
          %mul3A_417 = arith.muli %scan3A_166, %mul3A_416 : i32
          %add3A_418 = arith.addi %mul3A_92, %mul3A_417 : i32
          %add3A_419 = arith.constant 2 : i32
          %add3A_420 = arith.addi %add3A_418, %add3A_419 : i32
          %get3A_421 = arith.index_cast %select_n3A : i32 to index
          %get3A_422 = arith.index_cast %add3A_420 : i32 to index
          %get3A_423 = arith.constant 64 : index
          %get3A_424 = tpu.vector_load %arg6[%get3A_421, %get3A_422, %get3A_423] {strides = array<i32>} : memref<4x100x128xf32, #tpu.memory_space<vmem>>, vector<1x1x16xf32>,
          %get3A_425 = vector.shape_cast %get3A_424 : vector<1x1x16xf32> to vector<16xf32>
          %add3A_426 = arith.addf %add3A_415, %get3A_425 : vector<16xf32>
          %mul3A_427 = arith.constant 5 : i32
          %mul3A_428 = arith.muli %scan3A_166, %mul3A_427 : i32
          %add3A_429 = arith.addi %mul3A_92, %mul3A_428 : i32
          %add3A_430 = arith.constant 3 : i32
          %add3A_431 = arith.addi %add3A_429, %add3A_430 : i32
          %get3A_432 = arith.index_cast %select_n3A : i32 to index
          %get3A_433 = arith.index_cast %add3A_431 : i32 to index
          %get3A_434 = arith.constant 64 : index
          %get3A_435 = tpu.vector_load %arg6[%get3A_432, %get3A_433, %get3A_434] {strides = array<i32>} : memref<4x100x128xf32, #tpu.memory_space<vmem>>, vector<1x1x16xf32>,
          %get3A_436 = vector.shape_cast %get3A_435 : vector<1x1x16xf32> to vector<16xf32>
          %add3A_437 = arith.addf %add3A_426, %get3A_436 : vector<16xf32>
          %mul3A_438 = arith.constant 5 : i32
          %mul3A_439 = arith.muli %scan3A_166, %mul3A_438 : i32
          %add3A_440 = arith.addi %mul3A_92, %mul3A_439 : i32
          %add3A_441 = arith.constant 4 : i32
          %add3A_442 = arith.addi %add3A_440, %add3A_441 : i32
          %get3A_443 = arith.index_cast %select_n3A : i32 to index
          %get3A_444 = arith.index_cast %add3A_442 : i32 to index
          %get3A_445 = arith.constant 64 : index
          %get3A_446 = tpu.vector_load %arg6[%get3A_443, %get3A_444, %get3A_445] {strides = array<i32>} : memref<4x100x128xf32, #tpu.memory_space<vmem>>, vector<1x1x16xf32>,
          %get3A_447 = vector.shape_cast %get3A_446 : vector<1x1x16xf32> to vector<16xf32>
          %add3A_448 = arith.addf %add3A_437, %get3A_447 : vector<16xf32>
          %mul3A_449 = arith.constant 5 : i32
          %mul3A_450 = arith.muli %scan3A_166, %mul3A_449 : i32
          %add3A_451 = arith.addi %mul3A_92, %mul3A_450 : i32
          %add3A_452 = arith.constant 0 : i32
          %add3A_453 = arith.addi %add3A_451, %add3A_452 : i32
          %get3A_454 = arith.index_cast %select_n3A : i32 to index
          %get3A_455 = arith.index_cast %add3A_453 : i32 to index
          %get3A_456 = arith.constant 80 : index
          %get3A_457 = tpu.vector_load %arg6[%get3A_454, %get3A_455, %get3A_456] {strides = array<i32>} : memref<4x100x128xf32, #tpu.memory_space<vmem>>, vector<1x1x16xf32>,
          %get3A_458 = vector.shape_cast %get3A_457 : vector<1x1x16xf32> to vector<16xf32>
          %add3A_459 = arith.addf %scan3A_172, %get3A_458 : vector<16xf32>
          %mul3A_460 = arith.constant 5 : i32
          %mul3A_461 = arith.muli %scan3A_166, %mul3A_460 : i32
          %add3A_462 = arith.addi %mul3A_92, %mul3A_461 : i32
          %add3A_463 = arith.constant 1 : i32
          %add3A_464 = arith.addi %add3A_462, %add3A_463 : i32
          %get3A_465 = arith.index_cast %select_n3A : i32 to index
          %get3A_466 = arith.index_cast %add3A_464 : i32 to index
          %get3A_467 = arith.constant 80 : index
          %get3A_468 = tpu.vector_load %arg6[%get3A_465, %get3A_466, %get3A_467] {strides = array<i32>} : memref<4x100x128xf32, #tpu.memory_space<vmem>>, vector<1x1x16xf32>,
          %get3A_469 = vector.shape_cast %get3A_468 : vector<1x1x16xf32> to vector<16xf32>
          %add3A_470 = arith.addf %add3A_459, %get3A_469 : vector<16xf32>
          %mul3A_471 = arith.constant 5 : i32
          %mul3A_472 = arith.muli %scan3A_166, %mul3A_471 : i32
          %add3A_473 = arith.addi %mul3A_92, %mul3A_472 : i32
          %add3A_474 = arith.constant 2 : i32
          %add3A_475 = arith.addi %add3A_473, %add3A_474 : i32
          %get3A_476 = arith.index_cast %select_n3A : i32 to index
          %get3A_477 = arith.index_cast %add3A_475 : i32 to index
          %get3A_478 = arith.constant 80 : index
          %get3A_479 = tpu.vector_load %arg6[%get3A_476, %get3A_477, %get3A_478] {strides = array<i32>} : memref<4x100x128xf32, #tpu.memory_space<vmem>>, vector<1x1x16xf32>,
          %get3A_480 = vector.shape_cast %get3A_479 : vector<1x1x16xf32> to vector<16xf32>
          %add3A_481 = arith.addf %add3A_470, %get3A_480 : vector<16xf32>
          %mul3A_482 = arith.constant 5 : i32
          %mul3A_483 = arith.muli %scan3A_166, %mul3A_482 : i32
          %add3A_484 = arith.addi %mul3A_92, %mul3A_483 : i32
          %add3A_485 = arith.constant 3 : i32
          %add3A_486 = arith.addi %add3A_484, %add3A_485 : i32
          %get3A_487 = arith.index_cast %select_n3A : i32 to index
          %get3A_488 = arith.index_cast %add3A_486 : i32 to index
          %get3A_489 = arith.constant 80 : index
          %get3A_490 = tpu.vector_load %arg6[%get3A_487, %get3A_488, %get3A_489] {strides = array<i32>} : memref<4x100x128xf32, #tpu.memory_space<vmem>>, vector<1x1x16xf32>,
          %get3A_491 = vector.shape_cast %get3A_490 : vector<1x1x16xf32> to vector<16xf32>
          %add3A_492 = arith.addf %add3A_481, %get3A_491 : vector<16xf32>
          %mul3A_493 = arith.constant 5 : i32
          %mul3A_494 = arith.muli %scan3A_166, %mul3A_493 : i32
          %add3A_495 = arith.addi %mul3A_92, %mul3A_494 : i32
          %add3A_496 = arith.constant 4 : i32
          %add3A_497 = arith.addi %add3A_495, %add3A_496 : i32
          %get3A_498 = arith.index_cast %select_n3A : i32 to index
          %get3A_499 = arith.index_cast %add3A_497 : i32 to index
          %get3A_500 = arith.constant 80 : index
          %get3A_501 = tpu.vector_load %arg6[%get3A_498, %get3A_499, %get3A_500] {strides = array<i32>} : memref<4x100x128xf32, #tpu.memory_space<vmem>>, vector<1x1x16xf32>,
          %get3A_502 = vector.shape_cast %get3A_501 : vector<1x1x16xf32> to vector<16xf32>
          %add3A_503 = arith.addf %add3A_492, %get3A_502 : vector<16xf32>
          %mul3A_504 = arith.constant 5 : i32
          %mul3A_505 = arith.muli %scan3A_166, %mul3A_504 : i32
          %add3A_506 = arith.addi %mul3A_92, %mul3A_505 : i32
          %add3A_507 = arith.constant 0 : i32
          %add3A_508 = arith.addi %add3A_506, %add3A_507 : i32
          %get3A_509 = arith.index_cast %select_n3A : i32 to index
          %get3A_510 = arith.index_cast %add3A_508 : i32 to index
          %get3A_511 = arith.constant 96 : index
          %get3A_512 = tpu.vector_load %arg6[%get3A_509, %get3A_510, %get3A_511] {strides = array<i32>} : memref<4x100x128xf32, #tpu.memory_space<vmem>>, vector<1x1x16xf32>,
          %get3A_513 = vector.shape_cast %get3A_512 : vector<1x1x16xf32> to vector<16xf32>
          %add3A_514 = arith.addf %scan3A_173, %get3A_513 : vector<16xf32>
          %mul3A_515 = arith.constant 5 : i32
          %mul3A_516 = arith.muli %scan3A_166, %mul3A_515 : i32
          %add3A_517 = arith.addi %mul3A_92, %mul3A_516 : i32
          %add3A_518 = arith.constant 1 : i32
          %add3A_519 = arith.addi %add3A_517, %add3A_518 : i32
          %get3A_520 = arith.index_cast %select_n3A : i32 to index
          %get3A_521 = arith.index_cast %add3A_519 : i32 to index
          %get3A_522 = arith.constant 96 : index
          %get3A_523 = tpu.vector_load %arg6[%get3A_520, %get3A_521, %get3A_522] {strides = array<i32>} : memref<4x100x128xf32, #tpu.memory_space<vmem>>, vector<1x1x16xf32>,
          %get3A_524 = vector.shape_cast %get3A_523 : vector<1x1x16xf32> to vector<16xf32>
          %add3A_525 = arith.addf %add3A_514, %get3A_524 : vector<16xf32>
          %mul3A_526 = arith.constant 5 : i32
          %mul3A_527 = arith.muli %scan3A_166, %mul3A_526 : i32
          %add3A_528 = arith.addi %mul3A_92, %mul3A_527 : i32
          %add3A_529 = arith.constant 2 : i32
          %add3A_530 = arith.addi %add3A_528, %add3A_529 : i32
          %get3A_531 = arith.index_cast %select_n3A : i32 to index
          %get3A_532 = arith.index_cast %add3A_530 : i32 to index
          %get3A_533 = arith.constant 96 : index
          %get3A_534 = tpu.vector_load %arg6[%get3A_531, %get3A_532, %get3A_533] {strides = array<i32>} : memref<4x100x128xf32, #tpu.memory_space<vmem>>, vector<1x1x16xf32>,
          %get3A_535 = vector.shape_cast %get3A_534 : vector<1x1x16xf32> to vector<16xf32>
          %add3A_536 = arith.addf %add3A_525, %get3A_535 : vector<16xf32>
          %mul3A_537 = arith.constant 5 : i32
          %mul3A_538 = arith.muli %scan3A_166, %mul3A_537 : i32
          %add3A_539 = arith.addi %mul3A_92, %mul3A_538 : i32
          %add3A_540 = arith.constant 3 : i32
          %add3A_541 = arith.addi %add3A_539, %add3A_540 : i32
          %get3A_542 = arith.index_cast %select_n3A : i32 to index
          %get3A_543 = arith.index_cast %add3A_541 : i32 to index
          %get3A_544 = arith.constant 96 : index
          %get3A_545 = tpu.vector_load %arg6[%get3A_542, %get3A_543, %get3A_544] {strides = array<i32>} : memref<4x100x128xf32, #tpu.memory_space<vmem>>, vector<1x1x16xf32>,
          %get3A_546 = vector.shape_cast %get3A_545 : vector<1x1x16xf32> to vector<16xf32>
          %add3A_547 = arith.addf %add3A_536, %get3A_546 : vector<16xf32>
          %mul3A_548 = arith.constant 5 : i32
          %mul3A_549 = arith.muli %scan3A_166, %mul3A_548 : i32
          %add3A_550 = arith.addi %mul3A_92, %mul3A_549 : i32
          %add3A_551 = arith.constant 4 : i32
          %add3A_552 = arith.addi %add3A_550, %add3A_551 : i32
          %get3A_553 = arith.index_cast %select_n3A : i32 to index
          %get3A_554 = arith.index_cast %add3A_552 : i32 to index
          %get3A_555 = arith.constant 96 : index
          %get3A_556 = tpu.vector_load %arg6[%get3A_553, %get3A_554, %get3A_555] {strides = array<i32>} : memref<4x100x128xf32, #tpu.memory_space<vmem>>, vector<1x1x16xf32>,
          %get3A_557 = vector.shape_cast %get3A_556 : vector<1x1x16xf32> to vector<16xf32>
          %add3A_558 = arith.addf %add3A_547, %get3A_557 : vector<16xf32>
          %mul3A_559 = arith.constant 5 : i32
          %mul3A_560 = arith.muli %scan3A_166, %mul3A_559 : i32
          %add3A_561 = arith.addi %mul3A_92, %mul3A_560 : i32
          %add3A_562 = arith.constant 0 : i32
          %add3A_563 = arith.addi %add3A_561, %add3A_562 : i32
          %get3A_564 = arith.index_cast %select_n3A : i32 to index
          %get3A_565 = arith.index_cast %add3A_563 : i32 to index
          %get3A_566 = arith.constant 112 : index
          %get3A_567 = tpu.vector_load %arg6[%get3A_564, %get3A_565, %get3A_566] {strides = array<i32>} : memref<4x100x128xf32, #tpu.memory_space<vmem>>, vector<1x1x16xf32>,
          %get3A_568 = vector.shape_cast %get3A_567 : vector<1x1x16xf32> to vector<16xf32>
          %add3A_569 = arith.addf %scan3A_174, %get3A_568 : vector<16xf32>
          %mul3A_570 = arith.constant 5 : i32
          %mul3A_571 = arith.muli %scan3A_166, %mul3A_570 : i32
          %add3A_572 = arith.addi %mul3A_92, %mul3A_571 : i32
          %add3A_573 = arith.constant 1 : i32
          %add3A_574 = arith.addi %add3A_572, %add3A_573 : i32
          %get3A_575 = arith.index_cast %select_n3A : i32 to index
          %get3A_576 = arith.index_cast %add3A_574 : i32 to index
          %get3A_577 = arith.constant 112 : index
          %get3A_578 = tpu.vector_load %arg6[%get3A_575, %get3A_576, %get3A_577] {strides = array<i32>} : memref<4x100x128xf32, #tpu.memory_space<vmem>>, vector<1x1x16xf32>,
          %get3A_579 = vector.shape_cast %get3A_578 : vector<1x1x16xf32> to vector<16xf32>
          %add3A_580 = arith.addf %add3A_569, %get3A_579 : vector<16xf32>
          %mul3A_581 = arith.constant 5 : i32
          %mul3A_582 = arith.muli %scan3A_166, %mul3A_581 : i32
          %add3A_583 = arith.addi %mul3A_92, %mul3A_582 : i32
          %add3A_584 = arith.constant 2 : i32
          %add3A_585 = arith.addi %add3A_583, %add3A_584 : i32
          %get3A_586 = arith.index_cast %select_n3A : i32 to index
          %get3A_587 = arith.index_cast %add3A_585 : i32 to index
          %get3A_588 = arith.constant 112 : index
          %get3A_589 = tpu.vector_load %arg6[%get3A_586, %get3A_587, %get3A_588] {strides = array<i32>} : memref<4x100x128xf32, #tpu.memory_space<vmem>>, vector<1x1x16xf32>,
          %get3A_590 = vector.shape_cast %get3A_589 : vector<1x1x16xf32> to vector<16xf32>
          %add3A_591 = arith.addf %add3A_580, %get3A_590 : vector<16xf32>
          %mul3A_592 = arith.constant 5 : i32
          %mul3A_593 = arith.muli %scan3A_166, %mul3A_592 : i32
          %add3A_594 = arith.addi %mul3A_92, %mul3A_593 : i32
          %add3A_595 = arith.constant 3 : i32
          %add3A_596 = arith.addi %add3A_594, %add3A_595 : i32
          %get3A_597 = arith.index_cast %select_n3A : i32 to index
          %get3A_598 = arith.index_cast %add3A_596 : i32 to index
          %get3A_599 = arith.constant 112 : index
          %get3A_600 = tpu.vector_load %arg6[%get3A_597, %get3A_598, %get3A_599] {strides = array<i32>} : memref<4x100x128xf32, #tpu.memory_space<vmem>>, vector<1x1x16xf32>,
          %get3A_601 = vector.shape_cast %get3A_600 : vector<1x1x16xf32> to vector<16xf32>
          %add3A_602 = arith.addf %add3A_591, %get3A_601 : vector<16xf32>
          %mul3A_603 = arith.constant 5 : i32
          %mul3A_604 = arith.muli %scan3A_166, %mul3A_603 : i32
          %add3A_605 = arith.addi %mul3A_92, %mul3A_604 : i32
          %add3A_606 = arith.constant 4 : i32
          %add3A_607 = arith.addi %add3A_605, %add3A_606 : i32
          %get3A_608 = arith.index_cast %select_n3A : i32 to index
          %get3A_609 = arith.index_cast %add3A_607 : i32 to index
          %get3A_610 = arith.constant 112 : index
          %get3A_611 = tpu.vector_load %arg6[%get3A_608, %get3A_609, %get3A_610] {strides = array<i32>} : memref<4x100x128xf32, #tpu.memory_space<vmem>>, vector<1x1x16xf32>,
          %get3A_612 = vector.shape_cast %get3A_611 : vector<1x1x16xf32> to vector<16xf32>
          %add3A_613 = arith.addf %add3A_602, %get3A_612 : vector<16xf32>
          scf.yield %add3A_228, %add3A_283, %add3A_338, %add3A_393, %add3A_448, %add3A_503, %add3A_558, %add3A_613 : vector<16xf32>, vector<16xf32>, vector<16xf32>, vector<16xf32>, vector<16xf32>, vector<16xf32>, vector<16xf32>, vector<16xf32>
        }
        %scan3A_113 = arith.constant 10 : i32
        %mul3A_114 = arith.constant 8 : i32
        %mul3A_115 = arith.muli %mul3A_20, %mul3A_114 : i32
        %add3A_116 = arith.addi %mul3A_115, %scan3A_59 : i32
        %mul3A_117 = arith.constant 128 : i32
        %mul3A_118 = arith.muli %add3A_116, %mul3A_117 : i32
        %add3A_119 = arith.constant 0 : i32
        %add3A_120 = arith.addi %mul3A_118, %add3A_119 : i32
        %swap3A = arith.index_cast %add3A_120 : i32 to index
        %swap3A_121 = tpu.vector_load %arg8[%swap3A] {strides = array<i32>} : memref<16384xf32, #tpu.memory_space<vmem>>, vector<16xf32>,
        %swap3A_122 = vector.shape_cast %swap3A_121 : vector<16xf32> to vector<16xf32>
        %swap3A_123 = vector.shape_cast %scan3A_112#0 : vector<16xf32> to vector<16xf32>
        tpu.vector_store %arg8[%swap3A], %swap3A_123 {strides = array<i32>} : memref<16384xf32, #tpu.memory_space<vmem>>, vector<16xf32>,
        %add3A_124 = arith.constant 16 : i32
        %add3A_125 = arith.addi %mul3A_118, %add3A_124 : i32
        %swap3A_126 = arith.index_cast %add3A_125 : i32 to index
        %swap3A_127 = tpu.vector_load %arg8[%swap3A_126] {strides = array<i32>} : memref<16384xf32, #tpu.memory_space<vmem>>, vector<16xf32>,
        %swap3A_128 = vector.shape_cast %swap3A_127 : vector<16xf32> to vector<16xf32>
        %swap3A_129 = vector.shape_cast %scan3A_112#1 : vector<16xf32> to vector<16xf32>
        tpu.vector_store %arg8[%swap3A_126], %swap3A_129 {strides = array<i32>} : memref<16384xf32, #tpu.memory_space<vmem>>, vector<16xf32>,
        %add3A_130 = arith.constant 32 : i32
        %add3A_131 = arith.addi %mul3A_118, %add3A_130 : i32
        %swap3A_132 = arith.index_cast %add3A_131 : i32 to index
        %swap3A_133 = tpu.vector_load %arg8[%swap3A_132] {strides = array<i32>} : memref<16384xf32, #tpu.memory_space<vmem>>, vector<16xf32>,
        %swap3A_134 = vector.shape_cast %swap3A_133 : vector<16xf32> to vector<16xf32>
        %swap3A_135 = vector.shape_cast %scan3A_112#2 : vector<16xf32> to vector<16xf32>
        tpu.vector_store %arg8[%swap3A_132], %swap3A_135 {strides = array<i32>} : memref<16384xf32, #tpu.memory_space<vmem>>, vector<16xf32>,
        %add3A_136 = arith.constant 48 : i32
        %add3A_137 = arith.addi %mul3A_118, %add3A_136 : i32
        %swap3A_138 = arith.index_cast %add3A_137 : i32 to index
        %swap3A_139 = tpu.vector_load %arg8[%swap3A_138] {strides = array<i32>} : memref<16384xf32, #tpu.memory_space<vmem>>, vector<16xf32>,
        %swap3A_140 = vector.shape_cast %swap3A_139 : vector<16xf32> to vector<16xf32>
        %swap3A_141 = vector.shape_cast %scan3A_112#3 : vector<16xf32> to vector<16xf32>
        tpu.vector_store %arg8[%swap3A_138], %swap3A_141 {strides = array<i32>} : memref<16384xf32, #tpu.memory_space<vmem>>, vector<16xf32>,
        %add3A_142 = arith.constant 64 : i32
        %add3A_143 = arith.addi %mul3A_118, %add3A_142 : i32
        %swap3A_144 = arith.index_cast %add3A_143 : i32 to index
        %swap3A_145 = tpu.vector_load %arg8[%swap3A_144] {strides = array<i32>} : memref<16384xf32, #tpu.memory_space<vmem>>, vector<16xf32>,
        %swap3A_146 = vector.shape_cast %swap3A_145 : vector<16xf32> to vector<16xf32>
        %swap3A_147 = vector.shape_cast %scan3A_112#4 : vector<16xf32> to vector<16xf32>
        tpu.vector_store %arg8[%swap3A_144], %swap3A_147 {strides = array<i32>} : memref<16384xf32, #tpu.memory_space<vmem>>, vector<16xf32>,
        %add3A_148 = arith.constant 80 : i32
        %add3A_149 = arith.addi %mul3A_118, %add3A_148 : i32
        %swap3A_150 = arith.index_cast %add3A_149 : i32 to index
        %swap3A_151 = tpu.vector_load %arg8[%swap3A_150] {strides = array<i32>} : memref<16384xf32, #tpu.memory_space<vmem>>, vector<16xf32>,
        %swap3A_152 = vector.shape_cast %swap3A_151 : vector<16xf32> to vector<16xf32>
        %swap3A_153 = vector.shape_cast %scan3A_112#5 : vector<16xf32> to vector<16xf32>
        tpu.vector_store %arg8[%swap3A_150], %swap3A_153 {strides = array<i32>} : memref<16384xf32, #tpu.memory_space<vmem>>, vector<16xf32>,
        %add3A_154 = arith.constant 96 : i32
        %add3A_155 = arith.addi %mul3A_118, %add3A_154 : i32
        %swap3A_156 = arith.index_cast %add3A_155 : i32 to index
        %swap3A_157 = tpu.vector_load %arg8[%swap3A_156] {strides = array<i32>} : memref<16384xf32, #tpu.memory_space<vmem>>, vector<16xf32>,
        %swap3A_158 = vector.shape_cast %swap3A_157 : vector<16xf32> to vector<16xf32>
        %swap3A_159 = vector.shape_cast %scan3A_112#6 : vector<16xf32> to vector<16xf32>
        tpu.vector_store %arg8[%swap3A_156], %swap3A_159 {strides = array<i32>} : memref<16384xf32, #tpu.memory_space<vmem>>, vector<16xf32>,
        %add3A_160 = arith.constant 112 : i32
        %add3A_161 = arith.addi %mul3A_118, %add3A_160 : i32
        %swap3A_162 = arith.index_cast %add3A_161 : i32 to index
        %swap3A_163 = tpu.vector_load %arg8[%swap3A_162] {strides = array<i32>} : memref<16384xf32, #tpu.memory_space<vmem>>, vector<16xf32>,
        %swap3A_164 = vector.shape_cast %swap3A_163 : vector<16xf32> to vector<16xf32>
        %swap3A_165 = vector.shape_cast %scan3A_112#7 : vector<16xf32> to vector<16xf32>
        tpu.vector_store %arg8[%swap3A_162], %swap3A_165 {strides = array<i32>} : memref<16384xf32, #tpu.memory_space<vmem>>, vector<16xf32>,
      }
      %scan3A_42 = arith.constant 8 : i32
      %add3A_43 = arith.constant 1 : i32
      %add3A_44 = arith.addi %add3A_24, %add3A_43 : i32
      %lt3A = arith.constant 16 : i32
      %lt3A_45 = arith.cmpi slt, %add3A_44, %lt3A : i32
      %convert_element_type3A = arith.extui %lt3A_45 : i1 to i32
      %cond3A = arith.constant 0 : i32
      %cond3A_46 = arith.cmpi ne, %convert_element_type3A, %cond3A : i32
      scf.if %cond3A_46 {
        %add3A_59 = arith.constant 1 : i32
        %add3A_60 = arith.addi %add3A_24, %add3A_59 : i32
        %scan3A_61 = arith.constant 0 : i32
        %scan3A_62 = arith.constant 0 : i32
        %scan3A_63 = arith.constant 4 : i32
        %scan3A_64 = arith.addi %scan3A_62, %scan3A_63 : i32
        %scan3A_65 = arith.constant 1 : i32
        scf.for %scan3A_67 = %scan3A_62 to %scan3A_64 step %scan3A_65  : i32 {
          %mul3A_68 = arith.constant 4 : i32
          %mul3A_69 = arith.muli %add3A_60, %mul3A_68 : i32
          %add3A_70 = arith.addi %mul3A_69, %scan3A_67 : i32
          %dma_start3A = arith.constant 0 : i32
          %dma_start3A_71 = arith.constant 0 : i32
          %dma_start3A_72 = tpu.memref_slice %arg6[%scan3A_67, %dma_start3A, %dma_start3A_71] : memref<4x100x128xf32, #tpu.memory_space<vmem>> -> memref<1x100x128xf32, #tpu.memory_space<vmem>>
          %dma_start3A_73 = tpu.memref_squeeze %dma_start3A_72 : memref<1x100x128xf32, #tpu.memory_space<vmem>> -> memref<100x128xf32, #tpu.memory_space<vmem>>
          %dma_start3A_74 = arith.constant 0 : i32
          %dma_start3A_75 = tpu.memref_slice %arg5[%add3A_70, %dma_start3A_74] : memref<64x100xi32, #tpu.memory_space<vmem>> -> memref<1x100xi32, #tpu.memory_space<vmem>>
          %dma_start3A_76 = tpu.memref_squeeze %dma_start3A_75 : memref<1x100xi32, #tpu.memory_space<vmem>> -> memref<100xi32, #tpu.memory_space<vmem>>
          %dma_start3A_77 = arith.constant 0 : i32
          %dma_start3A_78 = arith.constant 0 : i32
          %dma_start3A_79 = tpu.memref_slice %arg3[%dma_start3A_77, %dma_start3A_78] : memref<100000x128xf32, #tpu.memory_space<hbm>> -> memref<100000x128xf32, #tpu.memory_space<hbm>>
          tpu.enqueue_indirect_dma source(%dma_start3A_79 : memref<100000x128xf32, #tpu.memory_space<hbm>>) target(%dma_start3A_73 : memref<100x128xf32, #tpu.memory_space<vmem>>) offsets(%dma_start3A_76 : memref<100xi32, #tpu.memory_space<vmem>>) semaphore(%arg9 : memref<!tpu.dma_semaphore, #tpu.memory_space<semaphore_mem>>)
        }
        %scan3A_66 = arith.constant 4 : i32
      } else {
      }
      %scan3A_47 = arith.constant 0 : i32
      %scan3A_48 = arith.constant 0 : i32
      %scan3A_49 = arith.constant 4 : i32
      %scan3A_50 = arith.addi %scan3A_48, %scan3A_49 : i32
      %scan3A_51 = arith.constant 1 : i32
      scf.for %scan3A_59 = %scan3A_48 to %scan3A_50 step %scan3A_51  : i32 {
        %mul3A_60 = arith.constant 4 : i32
        %mul3A_61 = arith.muli %add3A_24, %mul3A_60 : i32
        %add3A_62 = arith.addi %mul3A_61, %scan3A_59 : i32
        %dma_wait3A = arith.constant 0 : i32
        %dma_wait3A_63 = arith.constant 0 : i32
        %dma_wait3A_64 = tpu.memref_slice %arg7[%scan3A_59, %dma_wait3A, %dma_wait3A_63] : memref<4x100x128xf32, #tpu.memory_space<vmem>> -> memref<1x100x128xf32, #tpu.memory_space<vmem>>
        %dma_wait3A_65 = tpu.memref_squeeze %dma_wait3A_64 : memref<1x100x128xf32, #tpu.memory_space<vmem>> -> memref<100x128xf32, #tpu.memory_space<vmem>>
        %dma_wait3A_66 = arith.constant 0 : i32
        %dma_wait3A_67 = tpu.memref_slice %arg5[%add3A_62, %dma_wait3A_66] : memref<64x100xi32, #tpu.memory_space<vmem>> -> memref<1x100xi32, #tpu.memory_space<vmem>>
        %dma_wait3A_68 = tpu.memref_squeeze %dma_wait3A_67 : memref<1x100xi32, #tpu.memory_space<vmem>> -> memref<100xi32, #tpu.memory_space<vmem>>
        %dma_wait3A_69 = arith.constant 0 : i32
        %dma_wait3A_70 = arith.constant 0 : i32
        %dma_wait3A_71 = tpu.memref_slice %arg3[%dma_wait3A_69, %dma_wait3A_70] : memref<100000x128xf32, #tpu.memory_space<hbm>> -> memref<100000x128xf32, #tpu.memory_space<hbm>>
        tpu.wait_indirect_dma semaphore(%arg10 : memref<!tpu.dma_semaphore, #tpu.memory_space<semaphore_mem>>) src(%dma_wait3A_71 : memref<100000x128xf32, #tpu.memory_space<hbm>>) dst(%dma_wait3A_65 : memref<100x128xf32, #tpu.memory_space<vmem>>)
      }
      %scan3A_52 = arith.constant 4 : i32
      %scan3A_53 = arith.constant 0 : i32
      %scan3A_54 = arith.constant 0 : i32
      %scan3A_55 = arith.constant 8 : i32
      %scan3A_56 = arith.addi %scan3A_54, %scan3A_55 : i32
      %scan3A_57 = arith.constant 1 : i32
      scf.for %scan3A_59 = %scan3A_54 to %scan3A_56 step %scan3A_57  : i32 {
        %jit3A = arith.constant 2 : i32
        %div3A = arith.divsi %scan3A_59, %jit3A : i32
        %sign3A = arith.constant 0 : i32
        %sign3A_60 = arith.cmpi sgt, %scan3A_59, %sign3A : i32
        %sign3A_61 = arith.extui %sign3A_60 : i1 to i32
        %sign3A_62 = arith.constant 0 : i32
        %sign3A_63 = arith.cmpi slt, %scan3A_59, %sign3A_62 : i32
        %sign3A_64 = arith.extui %sign3A_63 : i1 to i32
        %sign3A_65 = arith.subi %sign3A_61, %sign3A_64 : i32
        %sign3A_66 = arith.constant 0 : i32
        %sign3A_67 = arith.cmpi sgt, %jit3A, %sign3A_66 : i32
        %sign3A_68 = arith.extui %sign3A_67 : i1 to i32
        %sign3A_69 = arith.constant 0 : i32
        %sign3A_70 = arith.cmpi slt, %jit3A, %sign3A_69 : i32
        %sign3A_71 = arith.extui %sign3A_70 : i1 to i32
        %sign3A_72 = arith.subi %sign3A_68, %sign3A_71 : i32
        %ne3A = arith.cmpi ne, %sign3A_65, %sign3A_72 : i32
        %rem3A = arith.remsi %scan3A_59, %jit3A : i32
        %ne3A_73 = arith.constant 0 : i32
        %ne3A_74 = arith.cmpi ne, %rem3A, %ne3A_73 : i32
        %and3A = arith.andi %ne3A, %ne3A_74 : i1
        %sub3A = arith.constant 1 : i32
        %sub3A_75 = arith.subi %div3A, %sub3A : i32
        %select_n3A = arith.select %and3A, %sub3A_75, %div3A : i32
        %jit3A_76 = arith.constant 2 : i32
        %eq3A = arith.constant 0 : i32
        %eq3A_77 = arith.cmpi eq, %jit3A_76, %eq3A : i32
        %jit3A_78 = arith.constant 1 : i32
        %select_n3A_79 = arith.select %eq3A_77, %jit3A_78, %jit3A_76 : i32
        %rem3A_80 = arith.remsi %scan3A_59, %select_n3A_79 : i32
        %ne3A_81 = arith.constant 0 : i32
        %ne3A_82 = arith.cmpi ne, %rem3A_80, %ne3A_81 : i32
        %lt3A_83 = arith.constant 0 : i32
        %lt3A_84 = arith.cmpi slt, %rem3A_80, %lt3A_83 : i32
        %lt3A_85 = arith.constant 0 : i32
        %lt3A_86 = arith.cmpi slt, %select_n3A_79, %lt3A_85 : i32
        %ne3A_87 = arith.xori %lt3A_84, %lt3A_86 : i1
        %and3A_88 = arith.andi %ne3A_87, %ne3A_82 : i1
        %add3A_89 = arith.addi %rem3A_80, %select_n3A_79 : i32
        %select_n3A_90 = arith.select %and3A_88, %add3A_89, %rem3A_80 : i32
        %mul3A_91 = arith.constant 50 : i32
        %mul3A_92 = arith.muli %select_n3A_90, %mul3A_91 : i32
        %broadcast_in_dim3A = arith.constant 0.000000e+00 : f32
        %broadcast_in_dim3A_93 = vector.broadcast %broadcast_in_dim3A : f32 to vector<16xf32>
        %broadcast_in_dim3A_94 = arith.constant 0.000000e+00 : f32
        %broadcast_in_dim3A_95 = vector.broadcast %broadcast_in_dim3A_94 : f32 to vector<16xf32>
        %broadcast_in_dim3A_96 = arith.constant 0.000000e+00 : f32
        %broadcast_in_dim3A_97 = vector.broadcast %broadcast_in_dim3A_96 : f32 to vector<16xf32>
        %broadcast_in_dim3A_98 = arith.constant 0.000000e+00 : f32
        %broadcast_in_dim3A_99 = vector.broadcast %broadcast_in_dim3A_98 : f32 to vector<16xf32>
        %broadcast_in_dim3A_100 = arith.constant 0.000000e+00 : f32
        %broadcast_in_dim3A_101 = vector.broadcast %broadcast_in_dim3A_100 : f32 to vector<16xf32>
        %broadcast_in_dim3A_102 = arith.constant 0.000000e+00 : f32
        %broadcast_in_dim3A_103 = vector.broadcast %broadcast_in_dim3A_102 : f32 to vector<16xf32>
        %broadcast_in_dim3A_104 = arith.constant 0.000000e+00 : f32
        %broadcast_in_dim3A_105 = vector.broadcast %broadcast_in_dim3A_104 : f32 to vector<16xf32>
        %broadcast_in_dim3A_106 = arith.constant 0.000000e+00 : f32
        %broadcast_in_dim3A_107 = vector.broadcast %broadcast_in_dim3A_106 : f32 to vector<16xf32>
        %scan3A_108 = arith.constant 0 : i32
        %scan3A_109 = arith.constant 10 : i32
        %scan3A_110 = arith.addi %scan3A_108, %scan3A_109 : i32
        %scan3A_111 = arith.constant 1 : i32
        %scan3A_112:8 = scf.for %scan3A_166 = %scan3A_108 to %scan3A_110 step %scan3A_111 iter_args(%scan3A_167 = %broadcast_in_dim3A_93, %scan3A_168 = %broadcast_in_dim3A_95, %scan3A_169 = %broadcast_in_dim3A_97, %scan3A_170 = %broadcast_in_dim3A_99, %scan3A_171 = %broadcast_in_dim3A_101, %scan3A_172 = %broadcast_in_dim3A_103, %scan3A_173 = %broadcast_in_dim3A_105, %scan3A_174 = %broadcast_in_dim3A_107) -> (vector<16xf32>, vector<16xf32>, vector<16xf32>, vector<16xf32>, vector<16xf32>, vector<16xf32>, vector<16xf32>, vector<16xf32>)  : i32 {
          %mul3A_175 = arith.constant 5 : i32
          %mul3A_176 = arith.muli %scan3A_166, %mul3A_175 : i32
          %add3A_177 = arith.addi %mul3A_92, %mul3A_176 : i32
          %add3A_178 = arith.constant 0 : i32
          %add3A_179 = arith.addi %add3A_177, %add3A_178 : i32
          %get3A = arith.index_cast %select_n3A : i32 to index
          %get3A_180 = arith.index_cast %add3A_179 : i32 to index
          %get3A_181 = arith.constant 0 : index
          %get3A_182 = tpu.vector_load %arg7[%get3A, %get3A_180, %get3A_181] {strides = array<i32>} : memref<4x100x128xf32, #tpu.memory_space<vmem>>, vector<1x1x16xf32>,
          %get3A_183 = vector.shape_cast %get3A_182 : vector<1x1x16xf32> to vector<16xf32>
          %add3A_184 = arith.addf %scan3A_167, %get3A_183 : vector<16xf32>
          %mul3A_185 = arith.constant 5 : i32
          %mul3A_186 = arith.muli %scan3A_166, %mul3A_185 : i32
          %add3A_187 = arith.addi %mul3A_92, %mul3A_186 : i32
          %add3A_188 = arith.constant 1 : i32
          %add3A_189 = arith.addi %add3A_187, %add3A_188 : i32
          %get3A_190 = arith.index_cast %select_n3A : i32 to index
          %get3A_191 = arith.index_cast %add3A_189 : i32 to index
          %get3A_192 = arith.constant 0 : index
          %get3A_193 = tpu.vector_load %arg7[%get3A_190, %get3A_191, %get3A_192] {strides = array<i32>} : memref<4x100x128xf32, #tpu.memory_space<vmem>>, vector<1x1x16xf32>,
          %get3A_194 = vector.shape_cast %get3A_193 : vector<1x1x16xf32> to vector<16xf32>
          %add3A_195 = arith.addf %add3A_184, %get3A_194 : vector<16xf32>
          %mul3A_196 = arith.constant 5 : i32
          %mul3A_197 = arith.muli %scan3A_166, %mul3A_196 : i32
          %add3A_198 = arith.addi %mul3A_92, %mul3A_197 : i32
          %add3A_199 = arith.constant 2 : i32
          %add3A_200 = arith.addi %add3A_198, %add3A_199 : i32
          %get3A_201 = arith.index_cast %select_n3A : i32 to index
          %get3A_202 = arith.index_cast %add3A_200 : i32 to index
          %get3A_203 = arith.constant 0 : index
          %get3A_204 = tpu.vector_load %arg7[%get3A_201, %get3A_202, %get3A_203] {strides = array<i32>} : memref<4x100x128xf32, #tpu.memory_space<vmem>>, vector<1x1x16xf32>,
          %get3A_205 = vector.shape_cast %get3A_204 : vector<1x1x16xf32> to vector<16xf32>
          %add3A_206 = arith.addf %add3A_195, %get3A_205 : vector<16xf32>
          %mul3A_207 = arith.constant 5 : i32
          %mul3A_208 = arith.muli %scan3A_166, %mul3A_207 : i32
          %add3A_209 = arith.addi %mul3A_92, %mul3A_208 : i32
          %add3A_210 = arith.constant 3 : i32
          %add3A_211 = arith.addi %add3A_209, %add3A_210 : i32
          %get3A_212 = arith.index_cast %select_n3A : i32 to index
          %get3A_213 = arith.index_cast %add3A_211 : i32 to index
          %get3A_214 = arith.constant 0 : index
          %get3A_215 = tpu.vector_load %arg7[%get3A_212, %get3A_213, %get3A_214] {strides = array<i32>} : memref<4x100x128xf32, #tpu.memory_space<vmem>>, vector<1x1x16xf32>,
          %get3A_216 = vector.shape_cast %get3A_215 : vector<1x1x16xf32> to vector<16xf32>
          %add3A_217 = arith.addf %add3A_206, %get3A_216 : vector<16xf32>
          %mul3A_218 = arith.constant 5 : i32
          %mul3A_219 = arith.muli %scan3A_166, %mul3A_218 : i32
          %add3A_220 = arith.addi %mul3A_92, %mul3A_219 : i32
          %add3A_221 = arith.constant 4 : i32
          %add3A_222 = arith.addi %add3A_220, %add3A_221 : i32
          %get3A_223 = arith.index_cast %select_n3A : i32 to index
          %get3A_224 = arith.index_cast %add3A_222 : i32 to index
          %get3A_225 = arith.constant 0 : index
          %get3A_226 = tpu.vector_load %arg7[%get3A_223, %get3A_224, %get3A_225] {strides = array<i32>} : memref<4x100x128xf32, #tpu.memory_space<vmem>>, vector<1x1x16xf32>,
          %get3A_227 = vector.shape_cast %get3A_226 : vector<1x1x16xf32> to vector<16xf32>
          %add3A_228 = arith.addf %add3A_217, %get3A_227 : vector<16xf32>
          %mul3A_229 = arith.constant 5 : i32
          %mul3A_230 = arith.muli %scan3A_166, %mul3A_229 : i32
          %add3A_231 = arith.addi %mul3A_92, %mul3A_230 : i32
          %add3A_232 = arith.constant 0 : i32
          %add3A_233 = arith.addi %add3A_231, %add3A_232 : i32
          %get3A_234 = arith.index_cast %select_n3A : i32 to index
          %get3A_235 = arith.index_cast %add3A_233 : i32 to index
          %get3A_236 = arith.constant 16 : index
          %get3A_237 = tpu.vector_load %arg7[%get3A_234, %get3A_235, %get3A_236] {strides = array<i32>} : memref<4x100x128xf32, #tpu.memory_space<vmem>>, vector<1x1x16xf32>,
          %get3A_238 = vector.shape_cast %get3A_237 : vector<1x1x16xf32> to vector<16xf32>
          %add3A_239 = arith.addf %scan3A_168, %get3A_238 : vector<16xf32>
          %mul3A_240 = arith.constant 5 : i32
          %mul3A_241 = arith.muli %scan3A_166, %mul3A_240 : i32
          %add3A_242 = arith.addi %mul3A_92, %mul3A_241 : i32
          %add3A_243 = arith.constant 1 : i32
          %add3A_244 = arith.addi %add3A_242, %add3A_243 : i32
          %get3A_245 = arith.index_cast %select_n3A : i32 to index
          %get3A_246 = arith.index_cast %add3A_244 : i32 to index
          %get3A_247 = arith.constant 16 : index
          %get3A_248 = tpu.vector_load %arg7[%get3A_245, %get3A_246, %get3A_247] {strides = array<i32>} : memref<4x100x128xf32, #tpu.memory_space<vmem>>, vector<1x1x16xf32>,
          %get3A_249 = vector.shape_cast %get3A_248 : vector<1x1x16xf32> to vector<16xf32>
          %add3A_250 = arith.addf %add3A_239, %get3A_249 : vector<16xf32>
          %mul3A_251 = arith.constant 5 : i32
          %mul3A_252 = arith.muli %scan3A_166, %mul3A_251 : i32
          %add3A_253 = arith.addi %mul3A_92, %mul3A_252 : i32
          %add3A_254 = arith.constant 2 : i32
          %add3A_255 = arith.addi %add3A_253, %add3A_254 : i32
          %get3A_256 = arith.index_cast %select_n3A : i32 to index
          %get3A_257 = arith.index_cast %add3A_255 : i32 to index
          %get3A_258 = arith.constant 16 : index
          %get3A_259 = tpu.vector_load %arg7[%get3A_256, %get3A_257, %get3A_258] {strides = array<i32>} : memref<4x100x128xf32, #tpu.memory_space<vmem>>, vector<1x1x16xf32>,
          %get3A_260 = vector.shape_cast %get3A_259 : vector<1x1x16xf32> to vector<16xf32>
          %add3A_261 = arith.addf %add3A_250, %get3A_260 : vector<16xf32>
          %mul3A_262 = arith.constant 5 : i32
          %mul3A_263 = arith.muli %scan3A_166, %mul3A_262 : i32
          %add3A_264 = arith.addi %mul3A_92, %mul3A_263 : i32
          %add3A_265 = arith.constant 3 : i32
          %add3A_266 = arith.addi %add3A_264, %add3A_265 : i32
          %get3A_267 = arith.index_cast %select_n3A : i32 to index
          %get3A_268 = arith.index_cast %add3A_266 : i32 to index
          %get3A_269 = arith.constant 16 : index
          %get3A_270 = tpu.vector_load %arg7[%get3A_267, %get3A_268, %get3A_269] {strides = array<i32>} : memref<4x100x128xf32, #tpu.memory_space<vmem>>, vector<1x1x16xf32>,
          %get3A_271 = vector.shape_cast %get3A_270 : vector<1x1x16xf32> to vector<16xf32>
          %add3A_272 = arith.addf %add3A_261, %get3A_271 : vector<16xf32>
          %mul3A_273 = arith.constant 5 : i32
          %mul3A_274 = arith.muli %scan3A_166, %mul3A_273 : i32
          %add3A_275 = arith.addi %mul3A_92, %mul3A_274 : i32
          %add3A_276 = arith.constant 4 : i32
          %add3A_277 = arith.addi %add3A_275, %add3A_276 : i32
          %get3A_278 = arith.index_cast %select_n3A : i32 to index
          %get3A_279 = arith.index_cast %add3A_277 : i32 to index
          %get3A_280 = arith.constant 16 : index
          %get3A_281 = tpu.vector_load %arg7[%get3A_278, %get3A_279, %get3A_280] {strides = array<i32>} : memref<4x100x128xf32, #tpu.memory_space<vmem>>, vector<1x1x16xf32>,
          %get3A_282 = vector.shape_cast %get3A_281 : vector<1x1x16xf32> to vector<16xf32>
          %add3A_283 = arith.addf %add3A_272, %get3A_282 : vector<16xf32>
          %mul3A_284 = arith.constant 5 : i32
          %mul3A_285 = arith.muli %scan3A_166, %mul3A_284 : i32
          %add3A_286 = arith.addi %mul3A_92, %mul3A_285 : i32
          %add3A_287 = arith.constant 0 : i32
          %add3A_288 = arith.addi %add3A_286, %add3A_287 : i32
          %get3A_289 = arith.index_cast %select_n3A : i32 to index
          %get3A_290 = arith.index_cast %add3A_288 : i32 to index
          %get3A_291 = arith.constant 32 : index
          %get3A_292 = tpu.vector_load %arg7[%get3A_289, %get3A_290, %get3A_291] {strides = array<i32>} : memref<4x100x128xf32, #tpu.memory_space<vmem>>, vector<1x1x16xf32>,
          %get3A_293 = vector.shape_cast %get3A_292 : vector<1x1x16xf32> to vector<16xf32>
          %add3A_294 = arith.addf %scan3A_169, %get3A_293 : vector<16xf32>
          %mul3A_295 = arith.constant 5 : i32
          %mul3A_296 = arith.muli %scan3A_166, %mul3A_295 : i32
          %add3A_297 = arith.addi %mul3A_92, %mul3A_296 : i32
          %add3A_298 = arith.constant 1 : i32
          %add3A_299 = arith.addi %add3A_297, %add3A_298 : i32
          %get3A_300 = arith.index_cast %select_n3A : i32 to index
          %get3A_301 = arith.index_cast %add3A_299 : i32 to index
          %get3A_302 = arith.constant 32 : index
          %get3A_303 = tpu.vector_load %arg7[%get3A_300, %get3A_301, %get3A_302] {strides = array<i32>} : memref<4x100x128xf32, #tpu.memory_space<vmem>>, vector<1x1x16xf32>,
          %get3A_304 = vector.shape_cast %get3A_303 : vector<1x1x16xf32> to vector<16xf32>
          %add3A_305 = arith.addf %add3A_294, %get3A_304 : vector<16xf32>
          %mul3A_306 = arith.constant 5 : i32
          %mul3A_307 = arith.muli %scan3A_166, %mul3A_306 : i32
          %add3A_308 = arith.addi %mul3A_92, %mul3A_307 : i32
          %add3A_309 = arith.constant 2 : i32
          %add3A_310 = arith.addi %add3A_308, %add3A_309 : i32
          %get3A_311 = arith.index_cast %select_n3A : i32 to index
          %get3A_312 = arith.index_cast %add3A_310 : i32 to index
          %get3A_313 = arith.constant 32 : index
          %get3A_314 = tpu.vector_load %arg7[%get3A_311, %get3A_312, %get3A_313] {strides = array<i32>} : memref<4x100x128xf32, #tpu.memory_space<vmem>>, vector<1x1x16xf32>,
          %get3A_315 = vector.shape_cast %get3A_314 : vector<1x1x16xf32> to vector<16xf32>
          %add3A_316 = arith.addf %add3A_305, %get3A_315 : vector<16xf32>
          %mul3A_317 = arith.constant 5 : i32
          %mul3A_318 = arith.muli %scan3A_166, %mul3A_317 : i32
          %add3A_319 = arith.addi %mul3A_92, %mul3A_318 : i32
          %add3A_320 = arith.constant 3 : i32
          %add3A_321 = arith.addi %add3A_319, %add3A_320 : i32
          %get3A_322 = arith.index_cast %select_n3A : i32 to index
          %get3A_323 = arith.index_cast %add3A_321 : i32 to index
          %get3A_324 = arith.constant 32 : index
          %get3A_325 = tpu.vector_load %arg7[%get3A_322, %get3A_323, %get3A_324] {strides = array<i32>} : memref<4x100x128xf32, #tpu.memory_space<vmem>>, vector<1x1x16xf32>,
          %get3A_326 = vector.shape_cast %get3A_325 : vector<1x1x16xf32> to vector<16xf32>
          %add3A_327 = arith.addf %add3A_316, %get3A_326 : vector<16xf32>
          %mul3A_328 = arith.constant 5 : i32
          %mul3A_329 = arith.muli %scan3A_166, %mul3A_328 : i32
          %add3A_330 = arith.addi %mul3A_92, %mul3A_329 : i32
          %add3A_331 = arith.constant 4 : i32
          %add3A_332 = arith.addi %add3A_330, %add3A_331 : i32
          %get3A_333 = arith.index_cast %select_n3A : i32 to index
          %get3A_334 = arith.index_cast %add3A_332 : i32 to index
          %get3A_335 = arith.constant 32 : index
          %get3A_336 = tpu.vector_load %arg7[%get3A_333, %get3A_334, %get3A_335] {strides = array<i32>} : memref<4x100x128xf32, #tpu.memory_space<vmem>>, vector<1x1x16xf32>,
          %get3A_337 = vector.shape_cast %get3A_336 : vector<1x1x16xf32> to vector<16xf32>
          %add3A_338 = arith.addf %add3A_327, %get3A_337 : vector<16xf32>
          %mul3A_339 = arith.constant 5 : i32
          %mul3A_340 = arith.muli %scan3A_166, %mul3A_339 : i32
          %add3A_341 = arith.addi %mul3A_92, %mul3A_340 : i32
          %add3A_342 = arith.constant 0 : i32
          %add3A_343 = arith.addi %add3A_341, %add3A_342 : i32
          %get3A_344 = arith.index_cast %select_n3A : i32 to index
          %get3A_345 = arith.index_cast %add3A_343 : i32 to index
          %get3A_346 = arith.constant 48 : index
          %get3A_347 = tpu.vector_load %arg7[%get3A_344, %get3A_345, %get3A_346] {strides = array<i32>} : memref<4x100x128xf32, #tpu.memory_space<vmem>>, vector<1x1x16xf32>,
          %get3A_348 = vector.shape_cast %get3A_347 : vector<1x1x16xf32> to vector<16xf32>
          %add3A_349 = arith.addf %scan3A_170, %get3A_348 : vector<16xf32>
          %mul3A_350 = arith.constant 5 : i32
          %mul3A_351 = arith.muli %scan3A_166, %mul3A_350 : i32
          %add3A_352 = arith.addi %mul3A_92, %mul3A_351 : i32
          %add3A_353 = arith.constant 1 : i32
          %add3A_354 = arith.addi %add3A_352, %add3A_353 : i32
          %get3A_355 = arith.index_cast %select_n3A : i32 to index
          %get3A_356 = arith.index_cast %add3A_354 : i32 to index
          %get3A_357 = arith.constant 48 : index
          %get3A_358 = tpu.vector_load %arg7[%get3A_355, %get3A_356, %get3A_357] {strides = array<i32>} : memref<4x100x128xf32, #tpu.memory_space<vmem>>, vector<1x1x16xf32>,
          %get3A_359 = vector.shape_cast %get3A_358 : vector<1x1x16xf32> to vector<16xf32>
          %add3A_360 = arith.addf %add3A_349, %get3A_359 : vector<16xf32>
          %mul3A_361 = arith.constant 5 : i32
          %mul3A_362 = arith.muli %scan3A_166, %mul3A_361 : i32
          %add3A_363 = arith.addi %mul3A_92, %mul3A_362 : i32
          %add3A_364 = arith.constant 2 : i32
          %add3A_365 = arith.addi %add3A_363, %add3A_364 : i32
          %get3A_366 = arith.index_cast %select_n3A : i32 to index
          %get3A_367 = arith.index_cast %add3A_365 : i32 to index
          %get3A_368 = arith.constant 48 : index
          %get3A_369 = tpu.vector_load %arg7[%get3A_366, %get3A_367, %get3A_368] {strides = array<i32>} : memref<4x100x128xf32, #tpu.memory_space<vmem>>, vector<1x1x16xf32>,
          %get3A_370 = vector.shape_cast %get3A_369 : vector<1x1x16xf32> to vector<16xf32>
          %add3A_371 = arith.addf %add3A_360, %get3A_370 : vector<16xf32>
          %mul3A_372 = arith.constant 5 : i32
          %mul3A_373 = arith.muli %scan3A_166, %mul3A_372 : i32
          %add3A_374 = arith.addi %mul3A_92, %mul3A_373 : i32
          %add3A_375 = arith.constant 3 : i32
          %add3A_376 = arith.addi %add3A_374, %add3A_375 : i32
          %get3A_377 = arith.index_cast %select_n3A : i32 to index
          %get3A_378 = arith.index_cast %add3A_376 : i32 to index
          %get3A_379 = arith.constant 48 : index
          %get3A_380 = tpu.vector_load %arg7[%get3A_377, %get3A_378, %get3A_379] {strides = array<i32>} : memref<4x100x128xf32, #tpu.memory_space<vmem>>, vector<1x1x16xf32>,
          %get3A_381 = vector.shape_cast %get3A_380 : vector<1x1x16xf32> to vector<16xf32>
          %add3A_382 = arith.addf %add3A_371, %get3A_381 : vector<16xf32>
          %mul3A_383 = arith.constant 5 : i32
          %mul3A_384 = arith.muli %scan3A_166, %mul3A_383 : i32
          %add3A_385 = arith.addi %mul3A_92, %mul3A_384 : i32
          %add3A_386 = arith.constant 4 : i32
          %add3A_387 = arith.addi %add3A_385, %add3A_386 : i32
          %get3A_388 = arith.index_cast %select_n3A : i32 to index
          %get3A_389 = arith.index_cast %add3A_387 : i32 to index
          %get3A_390 = arith.constant 48 : index
          %get3A_391 = tpu.vector_load %arg7[%get3A_388, %get3A_389, %get3A_390] {strides = array<i32>} : memref<4x100x128xf32, #tpu.memory_space<vmem>>, vector<1x1x16xf32>,
          %get3A_392 = vector.shape_cast %get3A_391 : vector<1x1x16xf32> to vector<16xf32>
          %add3A_393 = arith.addf %add3A_382, %get3A_392 : vector<16xf32>
          %mul3A_394 = arith.constant 5 : i32
          %mul3A_395 = arith.muli %scan3A_166, %mul3A_394 : i32
          %add3A_396 = arith.addi %mul3A_92, %mul3A_395 : i32
          %add3A_397 = arith.constant 0 : i32
          %add3A_398 = arith.addi %add3A_396, %add3A_397 : i32
          %get3A_399 = arith.index_cast %select_n3A : i32 to index
          %get3A_400 = arith.index_cast %add3A_398 : i32 to index
          %get3A_401 = arith.constant 64 : index
          %get3A_402 = tpu.vector_load %arg7[%get3A_399, %get3A_400, %get3A_401] {strides = array<i32>} : memref<4x100x128xf32, #tpu.memory_space<vmem>>, vector<1x1x16xf32>,
          %get3A_403 = vector.shape_cast %get3A_402 : vector<1x1x16xf32> to vector<16xf32>
          %add3A_404 = arith.addf %scan3A_171, %get3A_403 : vector<16xf32>
          %mul3A_405 = arith.constant 5 : i32
          %mul3A_406 = arith.muli %scan3A_166, %mul3A_405 : i32
          %add3A_407 = arith.addi %mul3A_92, %mul3A_406 : i32
          %add3A_408 = arith.constant 1 : i32
          %add3A_409 = arith.addi %add3A_407, %add3A_408 : i32
          %get3A_410 = arith.index_cast %select_n3A : i32 to index
          %get3A_411 = arith.index_cast %add3A_409 : i32 to index
          %get3A_412 = arith.constant 64 : index
          %get3A_413 = tpu.vector_load %arg7[%get3A_410, %get3A_411, %get3A_412] {strides = array<i32>} : memref<4x100x128xf32, #tpu.memory_space<vmem>>, vector<1x1x16xf32>,
          %get3A_414 = vector.shape_cast %get3A_413 : vector<1x1x16xf32> to vector<16xf32>
          %add3A_415 = arith.addf %add3A_404, %get3A_414 : vector<16xf32>
          %mul3A_416 = arith.constant 5 : i32
          %mul3A_417 = arith.muli %scan3A_166, %mul3A_416 : i32
          %add3A_418 = arith.addi %mul3A_92, %mul3A_417 : i32
          %add3A_419 = arith.constant 2 : i32
          %add3A_420 = arith.addi %add3A_418, %add3A_419 : i32
          %get3A_421 = arith.index_cast %select_n3A : i32 to index
          %get3A_422 = arith.index_cast %add3A_420 : i32 to index
          %get3A_423 = arith.constant 64 : index
          %get3A_424 = tpu.vector_load %arg7[%get3A_421, %get3A_422, %get3A_423] {strides = array<i32>} : memref<4x100x128xf32, #tpu.memory_space<vmem>>, vector<1x1x16xf32>,
          %get3A_425 = vector.shape_cast %get3A_424 : vector<1x1x16xf32> to vector<16xf32>
          %add3A_426 = arith.addf %add3A_415, %get3A_425 : vector<16xf32>
          %mul3A_427 = arith.constant 5 : i32
          %mul3A_428 = arith.muli %scan3A_166, %mul3A_427 : i32
          %add3A_429 = arith.addi %mul3A_92, %mul3A_428 : i32
          %add3A_430 = arith.constant 3 : i32
          %add3A_431 = arith.addi %add3A_429, %add3A_430 : i32
          %get3A_432 = arith.index_cast %select_n3A : i32 to index
          %get3A_433 = arith.index_cast %add3A_431 : i32 to index
          %get3A_434 = arith.constant 64 : index
          %get3A_435 = tpu.vector_load %arg7[%get3A_432, %get3A_433, %get3A_434] {strides = array<i32>} : memref<4x100x128xf32, #tpu.memory_space<vmem>>, vector<1x1x16xf32>,
          %get3A_436 = vector.shape_cast %get3A_435 : vector<1x1x16xf32> to vector<16xf32>
          %add3A_437 = arith.addf %add3A_426, %get3A_436 : vector<16xf32>
          %mul3A_438 = arith.constant 5 : i32
          %mul3A_439 = arith.muli %scan3A_166, %mul3A_438 : i32
          %add3A_440 = arith.addi %mul3A_92, %mul3A_439 : i32
          %add3A_441 = arith.constant 4 : i32
          %add3A_442 = arith.addi %add3A_440, %add3A_441 : i32
          %get3A_443 = arith.index_cast %select_n3A : i32 to index
          %get3A_444 = arith.index_cast %add3A_442 : i32 to index
          %get3A_445 = arith.constant 64 : index
          %get3A_446 = tpu.vector_load %arg7[%get3A_443, %get3A_444, %get3A_445] {strides = array<i32>} : memref<4x100x128xf32, #tpu.memory_space<vmem>>, vector<1x1x16xf32>,
          %get3A_447 = vector.shape_cast %get3A_446 : vector<1x1x16xf32> to vector<16xf32>
          %add3A_448 = arith.addf %add3A_437, %get3A_447 : vector<16xf32>
          %mul3A_449 = arith.constant 5 : i32
          %mul3A_450 = arith.muli %scan3A_166, %mul3A_449 : i32
          %add3A_451 = arith.addi %mul3A_92, %mul3A_450 : i32
          %add3A_452 = arith.constant 0 : i32
          %add3A_453 = arith.addi %add3A_451, %add3A_452 : i32
          %get3A_454 = arith.index_cast %select_n3A : i32 to index
          %get3A_455 = arith.index_cast %add3A_453 : i32 to index
          %get3A_456 = arith.constant 80 : index
          %get3A_457 = tpu.vector_load %arg7[%get3A_454, %get3A_455, %get3A_456] {strides = array<i32>} : memref<4x100x128xf32, #tpu.memory_space<vmem>>, vector<1x1x16xf32>,
          %get3A_458 = vector.shape_cast %get3A_457 : vector<1x1x16xf32> to vector<16xf32>
          %add3A_459 = arith.addf %scan3A_172, %get3A_458 : vector<16xf32>
          %mul3A_460 = arith.constant 5 : i32
          %mul3A_461 = arith.muli %scan3A_166, %mul3A_460 : i32
          %add3A_462 = arith.addi %mul3A_92, %mul3A_461 : i32
          %add3A_463 = arith.constant 1 : i32
          %add3A_464 = arith.addi %add3A_462, %add3A_463 : i32
          %get3A_465 = arith.index_cast %select_n3A : i32 to index
          %get3A_466 = arith.index_cast %add3A_464 : i32 to index
          %get3A_467 = arith.constant 80 : index
          %get3A_468 = tpu.vector_load %arg7[%get3A_465, %get3A_466, %get3A_467] {strides = array<i32>} : memref<4x100x128xf32, #tpu.memory_space<vmem>>, vector<1x1x16xf32>,
          %get3A_469 = vector.shape_cast %get3A_468 : vector<1x1x16xf32> to vector<16xf32>
          %add3A_470 = arith.addf %add3A_459, %get3A_469 : vector<16xf32>
          %mul3A_471 = arith.constant 5 : i32
          %mul3A_472 = arith.muli %scan3A_166, %mul3A_471 : i32
          %add3A_473 = arith.addi %mul3A_92, %mul3A_472 : i32
          %add3A_474 = arith.constant 2 : i32
          %add3A_475 = arith.addi %add3A_473, %add3A_474 : i32
          %get3A_476 = arith.index_cast %select_n3A : i32 to index
          %get3A_477 = arith.index_cast %add3A_475 : i32 to index
          %get3A_478 = arith.constant 80 : index
          %get3A_479 = tpu.vector_load %arg7[%get3A_476, %get3A_477, %get3A_478] {strides = array<i32>} : memref<4x100x128xf32, #tpu.memory_space<vmem>>, vector<1x1x16xf32>,
          %get3A_480 = vector.shape_cast %get3A_479 : vector<1x1x16xf32> to vector<16xf32>
          %add3A_481 = arith.addf %add3A_470, %get3A_480 : vector<16xf32>
          %mul3A_482 = arith.constant 5 : i32
          %mul3A_483 = arith.muli %scan3A_166, %mul3A_482 : i32
          %add3A_484 = arith.addi %mul3A_92, %mul3A_483 : i32
          %add3A_485 = arith.constant 3 : i32
          %add3A_486 = arith.addi %add3A_484, %add3A_485 : i32
          %get3A_487 = arith.index_cast %select_n3A : i32 to index
          %get3A_488 = arith.index_cast %add3A_486 : i32 to index
          %get3A_489 = arith.constant 80 : index
          %get3A_490 = tpu.vector_load %arg7[%get3A_487, %get3A_488, %get3A_489] {strides = array<i32>} : memref<4x100x128xf32, #tpu.memory_space<vmem>>, vector<1x1x16xf32>,
          %get3A_491 = vector.shape_cast %get3A_490 : vector<1x1x16xf32> to vector<16xf32>
          %add3A_492 = arith.addf %add3A_481, %get3A_491 : vector<16xf32>
          %mul3A_493 = arith.constant 5 : i32
          %mul3A_494 = arith.muli %scan3A_166, %mul3A_493 : i32
          %add3A_495 = arith.addi %mul3A_92, %mul3A_494 : i32
          %add3A_496 = arith.constant 4 : i32
          %add3A_497 = arith.addi %add3A_495, %add3A_496 : i32
          %get3A_498 = arith.index_cast %select_n3A : i32 to index
          %get3A_499 = arith.index_cast %add3A_497 : i32 to index
          %get3A_500 = arith.constant 80 : index
          %get3A_501 = tpu.vector_load %arg7[%get3A_498, %get3A_499, %get3A_500] {strides = array<i32>} : memref<4x100x128xf32, #tpu.memory_space<vmem>>, vector<1x1x16xf32>,
          %get3A_502 = vector.shape_cast %get3A_501 : vector<1x1x16xf32> to vector<16xf32>
          %add3A_503 = arith.addf %add3A_492, %get3A_502 : vector<16xf32>
          %mul3A_504 = arith.constant 5 : i32
          %mul3A_505 = arith.muli %scan3A_166, %mul3A_504 : i32
          %add3A_506 = arith.addi %mul3A_92, %mul3A_505 : i32
          %add3A_507 = arith.constant 0 : i32
          %add3A_508 = arith.addi %add3A_506, %add3A_507 : i32
          %get3A_509 = arith.index_cast %select_n3A : i32 to index
          %get3A_510 = arith.index_cast %add3A_508 : i32 to index
          %get3A_511 = arith.constant 96 : index
          %get3A_512 = tpu.vector_load %arg7[%get3A_509, %get3A_510, %get3A_511] {strides = array<i32>} : memref<4x100x128xf32, #tpu.memory_space<vmem>>, vector<1x1x16xf32>,
          %get3A_513 = vector.shape_cast %get3A_512 : vector<1x1x16xf32> to vector<16xf32>
          %add3A_514 = arith.addf %scan3A_173, %get3A_513 : vector<16xf32>
          %mul3A_515 = arith.constant 5 : i32
          %mul3A_516 = arith.muli %scan3A_166, %mul3A_515 : i32
          %add3A_517 = arith.addi %mul3A_92, %mul3A_516 : i32
          %add3A_518 = arith.constant 1 : i32
          %add3A_519 = arith.addi %add3A_517, %add3A_518 : i32
          %get3A_520 = arith.index_cast %select_n3A : i32 to index
          %get3A_521 = arith.index_cast %add3A_519 : i32 to index
          %get3A_522 = arith.constant 96 : index
          %get3A_523 = tpu.vector_load %arg7[%get3A_520, %get3A_521, %get3A_522] {strides = array<i32>} : memref<4x100x128xf32, #tpu.memory_space<vmem>>, vector<1x1x16xf32>,
          %get3A_524 = vector.shape_cast %get3A_523 : vector<1x1x16xf32> to vector<16xf32>
          %add3A_525 = arith.addf %add3A_514, %get3A_524 : vector<16xf32>
          %mul3A_526 = arith.constant 5 : i32
          %mul3A_527 = arith.muli %scan3A_166, %mul3A_526 : i32
          %add3A_528 = arith.addi %mul3A_92, %mul3A_527 : i32
          %add3A_529 = arith.constant 2 : i32
          %add3A_530 = arith.addi %add3A_528, %add3A_529 : i32
          %get3A_531 = arith.index_cast %select_n3A : i32 to index
          %get3A_532 = arith.index_cast %add3A_530 : i32 to index
          %get3A_533 = arith.constant 96 : index
          %get3A_534 = tpu.vector_load %arg7[%get3A_531, %get3A_532, %get3A_533] {strides = array<i32>} : memref<4x100x128xf32, #tpu.memory_space<vmem>>, vector<1x1x16xf32>,
          %get3A_535 = vector.shape_cast %get3A_534 : vector<1x1x16xf32> to vector<16xf32>
          %add3A_536 = arith.addf %add3A_525, %get3A_535 : vector<16xf32>
          %mul3A_537 = arith.constant 5 : i32
          %mul3A_538 = arith.muli %scan3A_166, %mul3A_537 : i32
          %add3A_539 = arith.addi %mul3A_92, %mul3A_538 : i32
          %add3A_540 = arith.constant 3 : i32
          %add3A_541 = arith.addi %add3A_539, %add3A_540 : i32
          %get3A_542 = arith.index_cast %select_n3A : i32 to index
          %get3A_543 = arith.index_cast %add3A_541 : i32 to index
          %get3A_544 = arith.constant 96 : index
          %get3A_545 = tpu.vector_load %arg7[%get3A_542, %get3A_543, %get3A_544] {strides = array<i32>} : memref<4x100x128xf32, #tpu.memory_space<vmem>>, vector<1x1x16xf32>,
          %get3A_546 = vector.shape_cast %get3A_545 : vector<1x1x16xf32> to vector<16xf32>
          %add3A_547 = arith.addf %add3A_536, %get3A_546 : vector<16xf32>
          %mul3A_548 = arith.constant 5 : i32
          %mul3A_549 = arith.muli %scan3A_166, %mul3A_548 : i32
          %add3A_550 = arith.addi %mul3A_92, %mul3A_549 : i32
          %add3A_551 = arith.constant 4 : i32
          %add3A_552 = arith.addi %add3A_550, %add3A_551 : i32
          %get3A_553 = arith.index_cast %select_n3A : i32 to index
          %get3A_554 = arith.index_cast %add3A_552 : i32 to index
          %get3A_555 = arith.constant 96 : index
          %get3A_556 = tpu.vector_load %arg7[%get3A_553, %get3A_554, %get3A_555] {strides = array<i32>} : memref<4x100x128xf32, #tpu.memory_space<vmem>>, vector<1x1x16xf32>,
          %get3A_557 = vector.shape_cast %get3A_556 : vector<1x1x16xf32> to vector<16xf32>
          %add3A_558 = arith.addf %add3A_547, %get3A_557 : vector<16xf32>
          %mul3A_559 = arith.constant 5 : i32
          %mul3A_560 = arith.muli %scan3A_166, %mul3A_559 : i32
          %add3A_561 = arith.addi %mul3A_92, %mul3A_560 : i32
          %add3A_562 = arith.constant 0 : i32
          %add3A_563 = arith.addi %add3A_561, %add3A_562 : i32
          %get3A_564 = arith.index_cast %select_n3A : i32 to index
          %get3A_565 = arith.index_cast %add3A_563 : i32 to index
          %get3A_566 = arith.constant 112 : index
          %get3A_567 = tpu.vector_load %arg7[%get3A_564, %get3A_565, %get3A_566] {strides = array<i32>} : memref<4x100x128xf32, #tpu.memory_space<vmem>>, vector<1x1x16xf32>,
          %get3A_568 = vector.shape_cast %get3A_567 : vector<1x1x16xf32> to vector<16xf32>
          %add3A_569 = arith.addf %scan3A_174, %get3A_568 : vector<16xf32>
          %mul3A_570 = arith.constant 5 : i32
          %mul3A_571 = arith.muli %scan3A_166, %mul3A_570 : i32
          %add3A_572 = arith.addi %mul3A_92, %mul3A_571 : i32
          %add3A_573 = arith.constant 1 : i32
          %add3A_574 = arith.addi %add3A_572, %add3A_573 : i32
          %get3A_575 = arith.index_cast %select_n3A : i32 to index
          %get3A_576 = arith.index_cast %add3A_574 : i32 to index
          %get3A_577 = arith.constant 112 : index
          %get3A_578 = tpu.vector_load %arg7[%get3A_575, %get3A_576, %get3A_577] {strides = array<i32>} : memref<4x100x128xf32, #tpu.memory_space<vmem>>, vector<1x1x16xf32>,
          %get3A_579 = vector.shape_cast %get3A_578 : vector<1x1x16xf32> to vector<16xf32>
          %add3A_580 = arith.addf %add3A_569, %get3A_579 : vector<16xf32>
          %mul3A_581 = arith.constant 5 : i32
          %mul3A_582 = arith.muli %scan3A_166, %mul3A_581 : i32
          %add3A_583 = arith.addi %mul3A_92, %mul3A_582 : i32
          %add3A_584 = arith.constant 2 : i32
          %add3A_585 = arith.addi %add3A_583, %add3A_584 : i32
          %get3A_586 = arith.index_cast %select_n3A : i32 to index
          %get3A_587 = arith.index_cast %add3A_585 : i32 to index
          %get3A_588 = arith.constant 112 : index
          %get3A_589 = tpu.vector_load %arg7[%get3A_586, %get3A_587, %get3A_588] {strides = array<i32>} : memref<4x100x128xf32, #tpu.memory_space<vmem>>, vector<1x1x16xf32>,
          %get3A_590 = vector.shape_cast %get3A_589 : vector<1x1x16xf32> to vector<16xf32>
          %add3A_591 = arith.addf %add3A_580, %get3A_590 : vector<16xf32>
          %mul3A_592 = arith.constant 5 : i32
          %mul3A_593 = arith.muli %scan3A_166, %mul3A_592 : i32
          %add3A_594 = arith.addi %mul3A_92, %mul3A_593 : i32
          %add3A_595 = arith.constant 3 : i32
          %add3A_596 = arith.addi %add3A_594, %add3A_595 : i32
          %get3A_597 = arith.index_cast %select_n3A : i32 to index
          %get3A_598 = arith.index_cast %add3A_596 : i32 to index
          %get3A_599 = arith.constant 112 : index
          %get3A_600 = tpu.vector_load %arg7[%get3A_597, %get3A_598, %get3A_599] {strides = array<i32>} : memref<4x100x128xf32, #tpu.memory_space<vmem>>, vector<1x1x16xf32>,
          %get3A_601 = vector.shape_cast %get3A_600 : vector<1x1x16xf32> to vector<16xf32>
          %add3A_602 = arith.addf %add3A_591, %get3A_601 : vector<16xf32>
          %mul3A_603 = arith.constant 5 : i32
          %mul3A_604 = arith.muli %scan3A_166, %mul3A_603 : i32
          %add3A_605 = arith.addi %mul3A_92, %mul3A_604 : i32
          %add3A_606 = arith.constant 4 : i32
          %add3A_607 = arith.addi %add3A_605, %add3A_606 : i32
          %get3A_608 = arith.index_cast %select_n3A : i32 to index
          %get3A_609 = arith.index_cast %add3A_607 : i32 to index
          %get3A_610 = arith.constant 112 : index
          %get3A_611 = tpu.vector_load %arg7[%get3A_608, %get3A_609, %get3A_610] {strides = array<i32>} : memref<4x100x128xf32, #tpu.memory_space<vmem>>, vector<1x1x16xf32>,
          %get3A_612 = vector.shape_cast %get3A_611 : vector<1x1x16xf32> to vector<16xf32>
          %add3A_613 = arith.addf %add3A_602, %get3A_612 : vector<16xf32>
          scf.yield %add3A_228, %add3A_283, %add3A_338, %add3A_393, %add3A_448, %add3A_503, %add3A_558, %add3A_613 : vector<16xf32>, vector<16xf32>, vector<16xf32>, vector<16xf32>, vector<16xf32>, vector<16xf32>, vector<16xf32>, vector<16xf32>
        }
        %scan3A_113 = arith.constant 10 : i32
        %mul3A_114 = arith.constant 8 : i32
        %mul3A_115 = arith.muli %add3A_24, %mul3A_114 : i32
        %add3A_116 = arith.addi %mul3A_115, %scan3A_59 : i32
        %mul3A_117 = arith.constant 128 : i32
        %mul3A_118 = arith.muli %add3A_116, %mul3A_117 : i32
        %add3A_119 = arith.constant 0 : i32
        %add3A_120 = arith.addi %mul3A_118, %add3A_119 : i32
        %swap3A = arith.index_cast %add3A_120 : i32 to index
        %swap3A_121 = tpu.vector_load %arg8[%swap3A] {strides = array<i32>} : memref<16384xf32, #tpu.memory_space<vmem>>, vector<16xf32>,
        %swap3A_122 = vector.shape_cast %swap3A_121 : vector<16xf32> to vector<16xf32>
        %swap3A_123 = vector.shape_cast %scan3A_112#0 : vector<16xf32> to vector<16xf32>
        tpu.vector_store %arg8[%swap3A], %swap3A_123 {strides = array<i32>} : memref<16384xf32, #tpu.memory_space<vmem>>, vector<16xf32>,
        %add3A_124 = arith.constant 16 : i32
        %add3A_125 = arith.addi %mul3A_118, %add3A_124 : i32
        %swap3A_126 = arith.index_cast %add3A_125 : i32 to index
        %swap3A_127 = tpu.vector_load %arg8[%swap3A_126] {strides = array<i32>} : memref<16384xf32, #tpu.memory_space<vmem>>, vector<16xf32>,
        %swap3A_128 = vector.shape_cast %swap3A_127 : vector<16xf32> to vector<16xf32>
        %swap3A_129 = vector.shape_cast %scan3A_112#1 : vector<16xf32> to vector<16xf32>
        tpu.vector_store %arg8[%swap3A_126], %swap3A_129 {strides = array<i32>} : memref<16384xf32, #tpu.memory_space<vmem>>, vector<16xf32>,
        %add3A_130 = arith.constant 32 : i32
        %add3A_131 = arith.addi %mul3A_118, %add3A_130 : i32
        %swap3A_132 = arith.index_cast %add3A_131 : i32 to index
        %swap3A_133 = tpu.vector_load %arg8[%swap3A_132] {strides = array<i32>} : memref<16384xf32, #tpu.memory_space<vmem>>, vector<16xf32>,
        %swap3A_134 = vector.shape_cast %swap3A_133 : vector<16xf32> to vector<16xf32>
        %swap3A_135 = vector.shape_cast %scan3A_112#2 : vector<16xf32> to vector<16xf32>
        tpu.vector_store %arg8[%swap3A_132], %swap3A_135 {strides = array<i32>} : memref<16384xf32, #tpu.memory_space<vmem>>, vector<16xf32>,
        %add3A_136 = arith.constant 48 : i32
        %add3A_137 = arith.addi %mul3A_118, %add3A_136 : i32
        %swap3A_138 = arith.index_cast %add3A_137 : i32 to index
        %swap3A_139 = tpu.vector_load %arg8[%swap3A_138] {strides = array<i32>} : memref<16384xf32, #tpu.memory_space<vmem>>, vector<16xf32>,
        %swap3A_140 = vector.shape_cast %swap3A_139 : vector<16xf32> to vector<16xf32>
        %swap3A_141 = vector.shape_cast %scan3A_112#3 : vector<16xf32> to vector<16xf32>
        tpu.vector_store %arg8[%swap3A_138], %swap3A_141 {strides = array<i32>} : memref<16384xf32, #tpu.memory_space<vmem>>, vector<16xf32>,
        %add3A_142 = arith.constant 64 : i32
        %add3A_143 = arith.addi %mul3A_118, %add3A_142 : i32
        %swap3A_144 = arith.index_cast %add3A_143 : i32 to index
        %swap3A_145 = tpu.vector_load %arg8[%swap3A_144] {strides = array<i32>} : memref<16384xf32, #tpu.memory_space<vmem>>, vector<16xf32>,
        %swap3A_146 = vector.shape_cast %swap3A_145 : vector<16xf32> to vector<16xf32>
        %swap3A_147 = vector.shape_cast %scan3A_112#4 : vector<16xf32> to vector<16xf32>
        tpu.vector_store %arg8[%swap3A_144], %swap3A_147 {strides = array<i32>} : memref<16384xf32, #tpu.memory_space<vmem>>, vector<16xf32>,
        %add3A_148 = arith.constant 80 : i32
        %add3A_149 = arith.addi %mul3A_118, %add3A_148 : i32
        %swap3A_150 = arith.index_cast %add3A_149 : i32 to index
        %swap3A_151 = tpu.vector_load %arg8[%swap3A_150] {strides = array<i32>} : memref<16384xf32, #tpu.memory_space<vmem>>, vector<16xf32>,
        %swap3A_152 = vector.shape_cast %swap3A_151 : vector<16xf32> to vector<16xf32>
        %swap3A_153 = vector.shape_cast %scan3A_112#5 : vector<16xf32> to vector<16xf32>
        tpu.vector_store %arg8[%swap3A_150], %swap3A_153 {strides = array<i32>} : memref<16384xf32, #tpu.memory_space<vmem>>, vector<16xf32>,
        %add3A_154 = arith.constant 96 : i32
        %add3A_155 = arith.addi %mul3A_118, %add3A_154 : i32
        %swap3A_156 = arith.index_cast %add3A_155 : i32 to index
        %swap3A_157 = tpu.vector_load %arg8[%swap3A_156] {strides = array<i32>} : memref<16384xf32, #tpu.memory_space<vmem>>, vector<16xf32>,
        %swap3A_158 = vector.shape_cast %swap3A_157 : vector<16xf32> to vector<16xf32>
        %swap3A_159 = vector.shape_cast %scan3A_112#6 : vector<16xf32> to vector<16xf32>
        tpu.vector_store %arg8[%swap3A_156], %swap3A_159 {strides = array<i32>} : memref<16384xf32, #tpu.memory_space<vmem>>, vector<16xf32>,
        %add3A_160 = arith.constant 112 : i32
        %add3A_161 = arith.addi %mul3A_118, %add3A_160 : i32
        %swap3A_162 = arith.index_cast %add3A_161 : i32 to index
        %swap3A_163 = tpu.vector_load %arg8[%swap3A_162] {strides = array<i32>} : memref<16384xf32, #tpu.memory_space<vmem>>, vector<16xf32>,
        %swap3A_164 = vector.shape_cast %swap3A_163 : vector<16xf32> to vector<16xf32>
        %swap3A_165 = vector.shape_cast %scan3A_112#7 : vector<16xf32> to vector<16xf32>
        tpu.vector_store %arg8[%swap3A_162], %swap3A_165 {strides = array<i32>} : memref<16384xf32, #tpu.memory_space<vmem>>, vector<16xf32>,
      }
      %scan3A_58 = arith.constant 8 : i32
    }
    %scan3A_13 = arith.constant 8 : i32
    %mul3A_14 = arith.constant 128 : i32
    %mul3A_15 = arith.muli %add3A, %mul3A_14 : i32
    %mul3A_16 = arith.constant 128 : i32
    %mul3A_17 = arith.muli %mul3A_15, %mul3A_16 : i32
    "tpu.region"() ({
      %run_scoped3A = tpu.sem_alloc : memref<!tpu.dma_semaphore, #tpu.memory_space<semaphore_mem>>
      %dma_start3A = tpu.memref_slice %arg4[%mul3A_17] : memref<524288xf32, #tpu.memory_space<hbm>> -> memref<16384xf32, #tpu.memory_space<hbm>>
      %dma_start3A_18 = tpu.memref_slice %arg4[%mul3A_17] : memref<524288xf32, #tpu.memory_space<hbm>> -> memref<16384xf32, #tpu.memory_space<hbm>>
      tpu.enqueue_dma source(%arg8 : memref<16384xf32, #tpu.memory_space<vmem>>) target(%dma_start3A_18 : memref<16384xf32, #tpu.memory_space<hbm>>) target_semaphore(%run_scoped3A : memref<!tpu.dma_semaphore, #tpu.memory_space<semaphore_mem>>)
      %dma_wait3A = tpu.memref_slice %arg4[%mul3A_17] : memref<524288xf32, #tpu.memory_space<hbm>> -> memref<16384xf32, #tpu.memory_space<hbm>>
      %dma_wait3A_19 = tpu.memref_slice %arg4[%mul3A_17] : memref<524288xf32, #tpu.memory_space<hbm>> -> memref<16384xf32, #tpu.memory_space<hbm>>
      tpu.wait_dma2 semaphore(%run_scoped3A : memref<!tpu.dma_semaphore, #tpu.memory_space<semaphore_mem>>) src(%arg8 : memref<16384xf32, #tpu.memory_space<vmem>>) dst(%dma_wait3A_19 : memref<16384xf32, #tpu.memory_space<hbm>>)
      tpu.yield
    }) : () -> ()
    return
  }
}

module attributes {stable_mosaic.version = 14 : i64} {
  func.func @_tail_body(%arg0: i32, %arg1: memref<524288xf32, #tpu.memory_space<vmem>>, %arg2: memref<128x2xf32, #tpu.memory_space<vmem>>, %arg3: memref<1x2xf32, #tpu.memory_space<vmem>>, %arg4: memref<4096x2xf32, #tpu.memory_space<vmem>>) attributes {dimension_semantics = [#tpu.dimension_semantics<arbitrary>], iteration_bounds = array<i64: 1>, scalar_prefetch = 0 : i64, scratch_operands = 0 : i64, tpu.core_type = #tpu.core_type<tc>, window_params = [{transform_indices = @transform_0, window_bounds = array<i64: 524288>}, {pipeline_mode = #tpu.pipeline_mode<synchronous>, transform_indices = @transform_1, window_bounds = array<i64: 128, 2>}, {pipeline_mode = #tpu.pipeline_mode<synchronous>, transform_indices = @transform_2, window_bounds = array<i64: 1, 2>}, {transform_indices = @transform_3, window_bounds = array<i64: 4096, 2>}]} {
    %get3A = arith.constant 0 : index
    %get3A_0 = vector.load %arg1[%get3A] : memref<524288xf32, #tpu.memory_space<vmem>>, vector<524288xf32>
    %reshape3A = vector.shape_cast %get3A_0 : vector<524288xf32> to vector<4096x128xf32>
    %get3A_1 = arith.constant 0 : index
    %get3A_2 = arith.constant 0 : index
    %get3A_3 = vector.load %arg2[%get3A_1, %get3A_2] : memref<128x2xf32, #tpu.memory_space<vmem>>, vector<128x2xf32>
    %dot_general3A = arith.constant dense<0.000000e+00> : vector<4096x2xf32>
    %dot_general3A_4 = tpu.matmul %reshape3A, %get3A_3, %dot_general3A {dimension_numbers = #tpu.dot_dimension_numbers<[1], [0], [0], [1], [0, 0, 1, 1], [], []>, transpose_lhs_hint = false} : vector<4096x128xf32>, vector<128x2xf32>, vector<4096x2xf32> -> vector<4096x2xf32>
    %get3A_5 = arith.constant 0 : index
    %get3A_6 = arith.constant 0 : index
    %get3A_7 = vector.load %arg3[%get3A_5, %get3A_6] : memref<1x2xf32, #tpu.memory_space<vmem>>, vector<1x2xf32>
    %add3A = vector.broadcast %get3A_7 : vector<1x2xf32> to vector<4096x2xf32>
    %add3A_8 = arith.addf %dot_general3A_4, %add3A : vector<4096x2xf32>
    %reduce_max3A = arith.constant dense<0xFF800000> : vector<4096xf32>
    %reduce_max3A_9 = vector.multi_reduction <maximumf>, %add3A_8, %reduce_max3A [1] : vector<4096x2xf32> to vector<4096xf32>
    %max3A = arith.constant 0xFF800000 : f32
    %max3A_10 = vector.broadcast %max3A : f32 to vector<4096xf32>
    %max3A_11 = arith.maximumf %max3A_10, %reduce_max3A_9 : vector<4096xf32>
    %broadcast_in_dim3A = vector.shape_cast %max3A_11 : vector<4096xf32> to vector<4096x1xf32>
    %sub3A = vector.broadcast %broadcast_in_dim3A : vector<4096x1xf32> to vector<4096x2xf32>
    %sub3A_12 = arith.subf %add3A_8, %sub3A : vector<4096x2xf32>
    %exp3A = math.exp %sub3A_12 : vector<4096x2xf32>
    %reduce_sum3A = arith.constant dense<0.000000e+00> : vector<4096xf32>
    %reduce_sum3A_13 = vector.multi_reduction <add>, %exp3A, %reduce_sum3A [1] : vector<4096x2xf32> to vector<4096xf32>
    %broadcast_in_dim3A_14 = vector.shape_cast %reduce_sum3A_13 : vector<4096xf32> to vector<4096x1xf32>
    %div3A = vector.broadcast %broadcast_in_dim3A_14 : vector<4096x1xf32> to vector<4096x2xf32>
    %div3A_15 = arith.divf %exp3A, %div3A : vector<4096x2xf32>
    %swap3A = arith.constant 0 : index
    %swap3A_16 = arith.constant 0 : index
    %swap3A_17 = vector.load %arg4[%swap3A, %swap3A_16] : memref<4096x2xf32, #tpu.memory_space<vmem>>, vector<4096x2xf32>
    tpu.vector_store %arg4[%swap3A, %swap3A_16], %div3A_15 {strides = array<i32>} : memref<4096x2xf32, #tpu.memory_space<vmem>>, vector<4096x2xf32>,
    return
  }
  func.func @transform_0(%arg0: i32) -> i32 {
    %c0_i32 = arith.constant 0 : i32
    return %arg0 : i32
  }
  func.func @transform_1(%arg0: i32) -> (i32, i32) {
    %c0_i32 = arith.constant 0 : i32
    %c0_i32_0 = arith.constant 0 : i32
    %c0_i32_1 = arith.constant 0 : i32
    return %c0_i32, %c0_i32_0 : i32, i32
  }
  func.func @transform_2(%arg0: i32) -> (i32, i32) {
    %c0_i32 = arith.constant 0 : i32
    %c0_i32_0 = arith.constant 0 : i32
    %c0_i32_1 = arith.constant 0 : i32
    return %c0_i32, %c0_i32_0 : i32, i32
  }
  func.func @transform_3(%arg0: i32) -> (i32, i32) {
    %c0_i32 = arith.constant 0 : i32
    %c0_i32_0 = arith.constant 0 : i32
    return %arg0, %c0_i32 : i32, i32
  }
}

</mosaic_0001>

<sc_bundles>
// kernel: kernel.4.cloned.1.call-start
scs
__scs_entry_jumppad:
0x0: {  	(pc) =	sbr.rel $0x88, $3  }
0x1: {  	(tag) =	ssettag $0x0;
	lr =	simm.s32 $0x1  }
0x2: {  	[smem:$0x3F9D] =	sst lr;
	_ =	strace $0xD0000000  }
0x3: {  	_ = 	snop  }
0x4: {  	_ = 	snop  }
0x5: {  	_ = 	snop  }
0x6: {  	_ = 	snop  }
0x7: {  	_ = 	snop  }
__scs_overlays_trampoline_lowered:
0x8: {  	[smem:$0x3FAC] =	sst s0  }
0x9: {  	[smem:$0x3FAD] =	sst s1  }
0xa: {  	[smem:$0x3FAE] =	sst s2  }
0xb: {  	[smem:$0x3FAF] =	sst s3  }
0xc: {  	[smem:$0x3FB0] =	sst s4  }
0xd: {  	[smem:$0x3FB1] =	sst s5  }
0xe: {  	[smem:$0x3FB2] =	sst s6  }
0xf: {  	[smem:$0x3FB3] =	sst s7  }
0x10: {  	[smem:$0x3FB4] =	sst s8  }
0x11: {  	[smem:$0x3FB5] =	sst s9;
	s0 =	simm.s32 @!p0 $0x0  }
0x12: {  	s1 =	sld [smem:$0x3F9B];
	s0 =	simm.s32 @p0 $0x1  }
0x13: {  	[smem:$0x3FB6] =	sst s0;
	s0 =	simm.s32 @!p1 $0x0  }
0x14: {  	s2 =	sld [smem:$0x3F9A];
	s0 =	simm.s32 @p1 $0x1  }
0x15: {  	[smem:$0x3FB7] =	sst s0;
	s0 =	simm.s32 @!p2 $0x0  }
0x16: {  	s3 =	sld [smem:$0x3FDB];
	s0 =	simm.s32 @p2 $0x1  }
0x17: {  	s4 =	simm.s32 $0x1BF5;
	[smem:$0x3FB9] =	sst s0  }
0x18: {  	s0 =	sld [smem:$0x3F9C];
	_ =	swait.ge [sflag:s4], $0x0  }
0x19: {  	s7 =	sld [smem:$0x3F9D]  }
0x1a: {  	s8 =	sadd.s32 $0xFFFFE003, lr  }
0x1b: {  	s9 =	sadd.s32 $0xFFFFFEF7, lr;
	s5 =	simm.s32 $0xFFFFFFFF;
	p2 =	slt.u32 s8, $0xFFFFF086  }
0x1c: {  	p1 =	slt.u32 s9, $0xF7A;
	s5 =	simm.s32 @!p2 $0x0  }
0x1d: {  	s5 =	simm.s32 @p1 $0x1;
	p0 =	seq.s32 s7, s2  }
0x1e: {  	s7 =	smul.u32 @!p0 $0xF7A, s2;
	p2 =	seq.s32 @!p0 s5, $0x0  }
0x1f: {  	s9 =	smul.u32 $0xF7A, s1;
	s8 =	simm.s32 @!p0 $0x1BF5;
	p2 =	por !p2, p0  }
0x20: {  	[sflag:s8] =	ssyncset.s32 @!p0 $0xFFFFF086;
	s6 =	sadd.s32 @!p0 s3, s7;
	s7 =	simm.s32 @!p0 $0x108  }
0x21: {  	s3 =	sadd.s32 s3, s9;
	s6 =	sadd.s32 @!p0 $0x88, s6;
	s7 =	simm.s32 @p2 $0x1082  }
0x22: {  	[simem:s7], [sflag:s8] =	dma.local @!p0 [hbm:s6], $0xF7A  }
0x23: {  	s9 =	sor.u32 $0xD0000000, s2;
	s6 =	simm.s32 $0x108;
	_ =	swait.ge @!p0 [sflag:s8], $0x0  }
0x24: {  	s3 =	sadd.s32 $0x88, s3;
	s6 =	simm.s32 @!p1 $0x1082;
	[sflag:s4] =	ssyncset.s32 $0xFFFFF086  }
0x25: {  	[simem:s6], [sflag:s4] =	dma.local [hbm:s3], $0xF7A  }
0x26: {  	[smem:$0x3F9D] =	sst s1;
	(tag) =	ssettag s2;
	_ =	strace s9  }
0x27: {  	s1 =	sld [smem:$0x3FAD]  }
0x28: {  	s2 =	sld [smem:$0x3FAE]  }
0x29: {  	s4 =	sld [smem:$0x3FB0]  }
0x2a: {  	p0 =	seq.s32 s5, $0x0;
	s5 =	sld [smem:$0x3FB1]  }
0x2b: {  	s6 =	sld [smem:$0x3FB2]  }
0x2c: {  	s7 =	sld [smem:$0x3FB3]  }
0x2d: {  	s3 =	simm.s32 $0x108;
	s8 =	sld [smem:$0x3FB4]  }
0x2e: {  	s3 =	simm.s32 @!p0 $0x1082;
	s9 =	sld [smem:$0x3FB5]  }
0x2f: {  	lr =	sadd.s32 s0, s3;
	s0 =	sld [smem:$0x3FAC]  }
0x30: {  	s3 =	sld [smem:$0x3FAF]  }
0x31: {  	[smem:$0x3FB8] =	sst s10  }
0x32: {  	s10 =	sld [smem:$0x3FB6];
	_ =	sdelay $0x3  }
0x33: {  	p0 =	seq.s32 s10, $0x1;
	s10 =	sld [smem:$0x3FB8];
	_ =	sdelay $0x3  }
0x34: {  	[smem:$0x3FB8] =	sst s10  }
0x35: {  	s10 =	sld [smem:$0x3FB7];
	_ =	sdelay $0x3  }
0x36: {  	p1 =	seq.s32 s10, $0x1;
	s10 =	sld [smem:$0x3FB8];
	_ =	sdelay $0x3  }
0x37: {  	[smem:$0x3FB8] =	sst s10  }
0x38: {  	s10 =	sld [smem:$0x3FB9]  }
0x39: {  	_ = 	snop;
	(pc) =	sbr.ind lr, $3  }
0x3a: {  	_ = 	snop  }
0x3b: {  	_ = 	snop  }
0x3c: {  	p2 =	seq.s32 s10, $0x1;
	s10 =	sld [smem:$0x3FB8]  }
0x3d: {  	_ =	shalt  }
0x3e: {  	_ =	shalt  }
0x3f: {  	_ =	shalt  }
0x40: {  	_ =	shalt  }
0x41: {  	_ =	shalt  }
0x42: {  	_ =	shalt  }
0x43: {  	_ =	shalt  }
0x44: {  	_ =	shalt  }
0x45: {  	_ =	shalt  }
0x46: {  	_ =	shalt  }
0x47: {  	_ =	shalt  }
0x48: {  	_ =	shalt  }
0x49: {  	_ =	shalt  }
0x4a: {  	_ =	shalt  }
0x4b: {  	_ =	shalt  }
0x4c: {  	_ =	shalt  }
0x4d: {  	_ =	shalt  }
0x4e: {  	_ =	shalt  }
0x4f: {  	_ =	shalt  }
0x50: {  	_ =	shalt  }
0x51: {  	_ =	shalt  }
0x52: {  	_ =	shalt  }
0x53: {  	_ =	shalt  }
0x54: {  	_ =	shalt  }
0x55: {  	_ =	shalt  }
0x56: {  	_ =	shalt  }
0x57: {  	_ =	shalt  }
0x58: {  	_ =	shalt  }
0x59: {  	_ =	shalt  }
0x5a: {  	_ =	shalt  }
0x5b: {  	_ =	shalt  }
0x5c: {  	_ =	shalt  }
0x5d: {  	_ =	shalt  }
0x5e: {  	_ =	shalt  }
0x5f: {  	_ =	shalt  }
0x60: {  	_ =	shalt  }
0x61: {  	_ =	shalt  }
0x62: {  	_ =	shalt  }
0x63: {  	_ =	shalt  }
0x64: {  	_ =	shalt  }
0x65: {  	_ =	shalt  }
0x66: {  	_ =	shalt  }
0x67: {  	_ =	shalt  }
0x68: {  	_ =	shalt  }
0x69: {  	_ =	shalt  }
0x6a: {  	_ =	shalt  }
0x6b: {  	_ =	shalt  }
0x6c: {  	_ =	shalt  }
0x6d: {  	_ =	shalt  }
0x6e: {  	_ =	shalt  }
0x6f: {  	_ =	shalt  }
0x70: {  	_ =	shalt  }
0x71: {  	_ =	shalt  }
0x72: {  	_ =	shalt  }
0x73: {  	_ =	shalt  }
0x74: {  	_ =	shalt  }
0x75: {  	_ =	shalt  }
0x76: {  	_ =	shalt  }
0x77: {  	_ =	shalt  }
0x78: {  	_ =	shalt  }
0x79: {  	_ =	shalt  }
0x7a: {  	_ =	shalt  }
0x7b: {  	_ =	shalt  }
0x7c: {  	_ =	shalt  }
0x7d: {  	_ =	shalt  }
0x7e: {  	_ =	shalt  }
0x7f: {  	_ =	shalt  }
0x80: {  	_ =	shalt  }
0x81: {  	_ =	shalt  }
0x82: {  	_ =	shalt  }
0x83: {  	_ =	shalt  }
0x84: {  	_ =	shalt  }
0x85: {  	_ =	shalt  }
0x86: {  	_ =	shalt  }
0x87: {  	_ =	shalt  }
.Lfunc_end0:
.L_simem_size_0:
called_computation_lowered:
.L_overlay_start_0:
0x88: {  	s2 =	sld [smem:$0x3FD9]  }
0x89: {  	s3 =	sld [smem:$0x3FFE];
	_ =	sdelay $0x1  }
0x8a: {  	s1 =	srdreg.scid  }
0x8b: {  	s0 =	sand.u32 $0x1, s1  }
0x8c: {  	s17 =	sshll.u32 s0, $0xA;
	s2 =	sadd.s32 s3, s2  }
0x8d: {  	s2 =	sadd.s32 s2, s17  }
0x8e: {  	[smem:$0x3FC4] =	sst s2  }
0x8f: {  	_ = 	snop  }
0x90: {  	s2 =	sld [smem:$0x3FC8];
	(tm) =	ssettm $0x1  }
0x91: {  	s18 =	sld [smem:$0x3FFB];
	_ =	sdelay $0x3  }
0x92: {  	_ =	strace s18  }
0x93: {  	s3 =	sld [smem:$0x3FFC];
	_ =	sdelay $0x3  }
0x94: {  	_ =	strace s3  }
0x95: {  	s3 =	sld [smem:$0x3FFD];
	_ =	sdelay $0x3  }
0x96: {  	_ =	strace s3  }
0x97: {  	_ =	strace $0x8FFFFFFF  }
0x98: {  	s19 =	sld [smem:$0x3FDB];
	_ =	sdelay $0x1  }
0x99: {  	s4 =	simm.s32 $_scs_section_size  }
0x9a: {  	s5 =	simm.s32 $_size__tile_overlayer_lowered;
	s6 =	simm.s32 $_tile_overlayer_lowered  }
0x9b: {  	s22 =	simm.s32 $0x1BFF;
	s21 =	sshll.u32 s6, $0x1;
	s3 =	sadd.s32 s4, s19  }
0x9c: {  	s7 =	simm.s32 $0x0;
	s20 =	sshll.u32 s5, $0x1;
	s5 =	sadd.s32 s21, s3  }
0x9d: {  	[timem:s7], [sflag:s22] =	dma.local [hbm:s5], s20  }
0x9e: {  	_ =	swait.ge [sflag:s22], s20  }
0x9f: {  	s4 =	ssub.s32 $0x0, s20;
	[sflag:s22] =	ssyncset.done $0x0  }
0xa0: {  	[sflag:s22] =	ssyncadd.s32 s4;
	_ =	sdelay $0x1  }
0xa1: {  	s23 =	simm.s32 $0x1B8B  }
0xa2: {  	_ =	swait.ge [sflag:s23], $0x1  }
0xa3: {  	[sflag:s23] =	ssyncset.done $0x0  }
0xa4: {  	s25 =	simm.s32 $0x1B8E;
	s24 =	sld [smem:$0x3FFE];
	[sflag:s23] =	ssyncadd.s32 $0xFFFFFFFF  }
0xa5: {  	s26 =	simm.s32 $execute0_lowered;
	[smem:$0x3FD2] =	sst s25  }
0xa6: {  	s5 =	sshll.u32 s26, $0x1;
	_ =	strace $0x80000046;
	[dreg:$0x1] =	wrdreg $0xFFFFFFFF  }
0xa7: {  	s28 =	simm.s32 $_size_execute0_lowered;
	s3 =	sadd.s32 s3, s5;
	[dreg:$0x0] =	wrdreg $0x0  }
0xa8: {  	s5 =	sshll.u32 s28, $0x1;
	[dreg:$0x2] =	wrdreg s3  }
0xa9: {  	[dreg:$0x3] =	wrdreg s5  }
0xaa: {  	[dreg:$0x4] =	wrdreg $0xC0  }
0xab: {  	_ =	task [dreg:s7], $0x5FFFF  }
0xac: {  	[dreg:$0x1] =	wrdreg $0xFFFFFFFF  }
0xad: {  	[dreg:$0x0] =	wrdreg $0x60  }
0xae: {  	[dreg:$0x2] =	wrdreg s24  }
0xaf: {  	[dreg:$0x3] =	wrdreg s2  }
0xb0: {  	[dreg:$0x4] =	wrdreg $0x9  }
0xb1: {  	_ =	task.clear_ibuf [dreg:s7], $0x5FFFF;
	_ =	strace $0x90000046  }
0xb2: {  	s29 =	simm.s32 $0x9;
	_ =	strace $0x80000048  }
0xb3: {  	_ =	swait.ge [sflag:s29], $0x1  }
0xb4: {  	[sflag:s29] =	ssyncadd.s32 $0xFFFFFFFF  }
0xb5: {  	_ =	strace $0x90000048  }
0xb6: {  	_ =	sfence  }
0xb7: {  	s30 =	sld [smem:$0x0];
	_ =	sdelay $0x2  }
0xb8: {  	s31 =	sshll.u32 s1, $0xD;
	s1 =	sshrl.u32 s1, $0x2  }
0xb9: {  	s3 =	sand.u32 $0x4000, s31;
	s1 =	sadd.s32 s1, s30  }
0xba: {  	s0 =	sor.u32 s3, s0;
	s1 =	sshll.u32 s1, $0x11  }
0xbb: {  	s0 =	sor.u32 s1, s0  }
0xbc: {  	s0 =	sadd.s32 $0x8F2B, s0  }
0xbd: {  	[sflag:s0] =	ssyncadd.remote.s32 $0x1  }
0xbe: {  	_ =	sfence.sel $0xFFFF  }
0xbf: {  	[dreg:$0x0] =	wrdreg $0xFFFFFFFF;
	(pc) =	sbr.abs _section_cstart, $3  }
0xc0: {  	[dreg:$0x1] =	wrdreg $0xFFFFFFFF  }
0xc1: {  	_ =	task.clear_ibuf [dreg:s7], $0x2FFFF;
	_ =	strace $0x9FFFFFFF  }
0xc2: {  	(tm) =	ssettm $0x7FFFFFFF  }
0xc3: {  	_ =	shalt  }
tec
execute0_lowered:
.L_overlay_start_1:
0x0: {  	(tag) =	ssettag $0x1  }
0x1: {  	s4 =	rddreg [dreg:$0x0];
	s1 =	srdreg.scid  }
0x2: {  	s0 =	stileid.u32;
	s2 =	rddreg [dreg:$0x1];
	s3 =	simm.s32 $0x0  }
0x3: {  	s9 =	simm.s32 $0x1A00;
	s10 =	simm.s32 $0x68;
	s11 =	simm.s32 $0x4C00  }
0x4: {  	s12 =	simm.s32 $0xD0;
	s13 =	simm.s32 $0x7E00;
	s14 =	simm.s32 $0x138  }
0x5: {  	s15 =	simm.s32 $0xB000;
	s16 =	simm.s32 $0xE200;
	s17 =	simm.s32 $0x11400  }
0x6: {  	s18 =	simm.s32 $0x14600;
	s19 =	simm.s32 $0x17800;
	s20 =	simm.s32 $0x1  }
0x7: {  	s21 =	simm.s32 $0x2;
	s22 =	simm.s32 $0x1AA00;
	s23 =	simm.s32 $0x0  }
0x8: {  	s5 =	sand.u32 $0x1, s1;
	s6 =	sshll.u32 s0, $0x1;
	s1 =	rddreg [dreg:$0x2]  }
0x9: {  	[smem:$0x7FF] =	sst s3;
	s6 =	sor.u32 s5, s6;
	s5 =	ssub.s32 $0x2, s5  }
0xa: {  	s7 =	smul.u32 $0x340, s6;
	s6 =	sshll.u32 s6, $0xB;
	s31 =	sshrl.u32 s5, $0x1  }
0xb: {  	_ =	strace $0x80000047;
	s6 =	sadd.s32 s6, s4;
	s8 =	ssub.s32 s5, s31  }
0xc: {  	s7 =	sadd.s32 s7, s4;
	s5 =	sadd.s32 $0x7200, s6;
	s6 =	smax.u32 s8, $0x1  }
0xd: {  	s8 =	simm.s32 $0x64;
	s4 =	sadd.s32 $0xA00, s7;
	s7 =	simm.s32 $0x3  }
.LBB2_1:
0xe: {  	[tilespmem:s3], [sflag:$0x3] =	stream.linear.gather [hbm4b:s4+s3], $0x1A00, $0x38;
	[tilespmem:$0x1EA00] =	vst v63  }
0xf: {  	_ =	swait.ge [sflag:s7], $0x1A00  }
0x10: {  	[sflag:s7] =	ssyncset.done $0x0  }
0x11: {  	[sflag:s7] =	ssyncadd.s32 $0xFFFFE600  }
0x12: {  	[tilespmem:s9], [sflag:$0x1] =	stream.indirect.gather [hbm4b:s2+s8], $0x80, s3, s8, $0xb8;
	[tilespmem:$0x1EA00] =	vst v63  }
0x13: {  	_ = 	snop  }
0x14: {  	[tilespmem:s11], [sflag:$0x1] =	stream.indirect.gather [hbm4b:s2+s8], $0x80, s10, s8, $0xb8;
	[tilespmem:$0x1EA00] =	vst v63  }
0x15: {  	_ = 	snop  }
0x16: {  	[tilespmem:s13], [sflag:$0x1] =	stream.indirect.gather [hbm4b:s2+s8], $0x80, s12, s8, $0xb8;
	[tilespmem:$0x1EA00] =	vst v63  }
0x17: {  	s24 =	simm.s32 $0x0  }
0x18: {  	[tilespmem:s15], [sflag:$0x1] =	stream.indirect.gather [hbm4b:s2+s8], $0x80, s14, s8, $0xb8;
	[tilespmem:$0x1EA00] =	vst v63  }
.LBB2_2:
0x19: {  	s25 =	sshllo.u32 s24, $0x1  }
0x1a: {  	s26 =	smul.u32 $0x680, s25;
	_ =	sdelay $0x1  }
0x1b: {  	s26 =	sshra.s32 s26, $0x2  }
0x1c: {  	[tilespmem:s16], [sflag:$0x2] =	stream.indirect.gather [hbm4b:s2+s8], $0x80, s26, s8, $0xb8;
	[tilespmem:$0x1EA00] =	vst v63  }
0x1d: {  	s28 =	sadd.s32 $0x68, s26  }
0x1e: {  	[tilespmem:s17], [sflag:$0x2] =	stream.indirect.gather [hbm4b:s2+s8], $0x80, s28, s8, $0xb8;
	[tilespmem:$0x1EA00] =	vst v63  }
0x1f: {  	s29 =	sadd.s32 $0xD0, s26  }
0x20: {  	[tilespmem:s18], [sflag:$0x2] =	stream.indirect.gather [hbm4b:s2+s8], $0x80, s29, s8, $0xb8;
	[tilespmem:$0x1EA00] =	vst v63  }
0x21: {  	s26 =	sadd.s32 $0x138, s26  }
0x22: {  	[tilespmem:s19], [sflag:$0x2] =	stream.indirect.gather [hbm4b:s2+s8], $0x80, s26, s8, $0xb8;
	[tilespmem:$0x1EA00] =	vst v63  }
0x23: {  	_ =	swait.ge [sflag:s20], $0x3200  }
0x24: {  	[sflag:s20] =	ssyncset.done $0x0  }
0x25: {  	[sflag:s20] =	ssyncadd.s32 $0xFFFFCE00  }
0x26: {  	_ =	swait.ge [sflag:s20], $0x3200  }
0x27: {  	[sflag:s20] =	ssyncset.done $0x0  }
0x28: {  	[sflag:s20] =	ssyncadd.s32 $0xFFFFCE00  }
0x29: {  	_ =	swait.ge [sflag:s20], $0x3200  }
0x2a: {  	[sflag:s20] =	ssyncset.done $0x0  }
0x2b: {  	s30 =	sshll.u32 s24, $0xB;
	[sflag:s20] =	ssyncadd.s32 $0xFFFFCE00  }
0x2c: {  	s26 =	sand.u32 $0x3FFFF800, s30;
	_ =	swait.ge [sflag:s20], $0x3200  }
0x2d: {  	s31 =	sadd.s32 $0x1AA00, s26;
	[sflag:s20] =	ssyncset.done $0x0  }
0x2e: {  	s26 =	simm.s32 $0x0;
	v0 =	vmov s31;
	[sflag:s20] =	ssyncadd.s32 $0xFFFFCE00  }
.LBB2_3:
0x2f: {  	s28 =	sshrl.u32 s26, $0x1;
	s29 =	sand.u32 $0x1, s26  }
0x30: {  	s28 =	smul.u32 $0xC800, s28;
	p0 =	seq.s32 s29, $0x1;
	s29 =	simm.s32 $0x6400  }
0x31: {  	s29 =	simm.s32 @!p0 $0x0  }
0x32: {  	s28 =	sadd.s32 s29, s28  }
0x33: {  	s28 =	sshra.s32 s28, $0x2  }
0x34: {  	s28 =	sadd.s32 $0x1A00, s28  }
0x35: {  	v3 =	vmov s28;
	_ =	sdelay $0x3  }
0x36: {  	s28 =	simm.s32 $0x0  }
0x37: {  	v6 =	vld.idx.msk [tilespmem:v3+s28+$0x200 ss:$0x1], $0xffff  }
0x38: {  	v7 =	vld.idx.msk [tilespmem:v3+s28+$0x210 ss:$0x1], $0xffff  }
0x39: {  	v8 =	vld.idx.msk [tilespmem:v3+s28+$0x220 ss:$0x1], $0xffff  }
0x3a: {  	v9 =	vld.idx.msk [tilespmem:v3+s28+$0x230 ss:$0x1], $0xffff  }
0x3b: {  	v2 =	vld.idx.msk [tilespmem:v3+s28+$0x240 ss:$0x1], $0xffff  }
0x3c: {  	v1 =	vld.idx.msk [tilespmem:v3+s28+$0x250 ss:$0x1], $0xffff  }
0x3d: {  	v15 =	vld.idx.msk [tilespmem:v3+s28+$0x180 ss:$0x1], $0xffff  }
0x3e: {  	v18 =	vld.idx.msk [tilespmem:v3+s28+$0x190 ss:$0x1], $0xffff  }
0x3f: {  	v12 =	vld.idx.msk [tilespmem:v3+s28+$0x1A0 ss:$0x1], $0xffff  }
0x40: {  	v16 =	vld.idx.msk [tilespmem:v3+s28+$0x1B0 ss:$0x1], $0xffff  }
0x41: {  	v5 =	vld.idx.msk [tilespmem:v3+s28+$0x1C0 ss:$0x1], $0xffff  }
0x42: {  	v4 =	vld.idx.msk [tilespmem:v3+s28+$0x1D0 ss:$0x1], $0xffff  }
0x43: {  	v13 =	vld.idx.msk [tilespmem:v3+s28+$0x100 ss:$0x1], $0xffff  }
0x44: {  	v17 =	vld.idx.msk [tilespmem:v3+s28+$0x110 ss:$0x1], $0xffff  }
0x45: {  	v22 =	vld.idx.msk [tilespmem:v3+s28+$0x120 ss:$0x1], $0xffff  }
0x46: {  	v23 =	vld.idx.msk [tilespmem:v3+s28+$0x130 ss:$0x1], $0xffff  }
0x47: {  	v19 =	vld.idx.msk [tilespmem:v3+s28+$0x80 ss:$0x1], $0xffff  }
0x48: {  	v24 =	vld.idx.msk [tilespmem:v3+s28+$0x90 ss:$0x1], $0xffff  }
0x49: {  	v20 =	vld.idx.msk [tilespmem:v3+s28+$0x0 ss:$0x1], $0xffff  }
0x4a: {  	v21 =	vld.idx.msk [tilespmem:v3+s28+$0x10 ss:$0x1], $0xffff  }
0x4b: {  	v25 =	vld.idx.msk [tilespmem:v3+s28+$0x20 ss:$0x1], $0xffff  }
0x4c: {  	v26 =	vld.idx.msk [tilespmem:v3+s28+$0x30 ss:$0x1], $0xffff  }
0x4d: {  	v27 =	vld.idx.msk [tilespmem:v3+s28+$0xA0 ss:$0x1], $0xffff  }
0x4e: {  	v28 =	vld.idx.msk [tilespmem:v3+s28+$0xB0 ss:$0x1], $0xffff  }
0x4f: {  	v10 =	vimm.f32 $0.0e+00;
	v14 =	vld.idx.msk [tilespmem:v3+s28+$0x140 ss:$0x1], $0xffff  }
0x50: {  	v11 =	vld.idx.msk [tilespmem:v3+s28+$0x150 ss:$0x1], $0xffff;
	v29 =	vadd.f32 v20, v10;
	v30 =	vadd.f32 v21, v10  }
0x51: {  	v20 =	vld.idx.msk [tilespmem:v3+s28+$0xC0 ss:$0x1], $0xffff;
	v25 =	vadd.f32 v25, v10;
	v26 =	vadd.f32 v26, v10  }
0x52: {  	v21 =	vld.idx.msk [tilespmem:v3+s28+$0xD0 ss:$0x1], $0xffff;
	v19 =	vadd.f32 v19, v29;
	v30 =	vadd.f32 v24, v30  }
0x53: {  	v24 =	vld.idx.msk [tilespmem:v3+s28+$0x40 ss:$0x1], $0xffff;
	v27 =	vadd.f32 v27, v25;
	v28 =	vadd.f32 v28, v26  }
0x54: {  	v25 =	vld.idx.msk [tilespmem:v3+s28+$0x50 ss:$0x1], $0xffff;
	v29 =	vadd.f32 v13, v19;
	v30 =	vadd.f32 v17, v30  }
0x55: {  	s29 =	simm.s32 $0xA00;
	v26 =	vld.idx.msk [tilespmem:v3+s28+$0x60 ss:$0x1], $0xffff;
	v19 =	vimm.f32 $0.0e+00;
	v17 =	vimm.f32 $0.0e+00;
	v13 =	vimm.f32 $0.0e+00  }
.LBB2_4:
0x56: {  	p0 =	sne.s32 s29, $0x5A00;
	v22 =	vadd.f32 v22, v27;
	v23 =	vadd.f32 v23, v28;
	v27 =	vld.idx.msk [tilespmem:v3+s28+$0x70 ss:$0x1], $0xffff  }
0x57: {  	v15 =	vadd.f32 v15, v29;
	v18 =	vadd.f32 v18, v30;
	v28 =	vld.idx.msk [tilespmem:v3+s28+$0xE0 ss:$0x1], $0xffff  }
0x58: {  	v12 =	vadd.f32 v12, v22;
	v16 =	vadd.f32 v16, v23;
	v22 =	vld.idx.msk [tilespmem:v3+s28+$0xF0 ss:$0x1], $0xffff  }
0x59: {  	v29 =	vadd.f32 v6, v15;
	v30 =	vadd.f32 v7, v18;
	v15 =	vld.idx.msk [tilespmem:v3+s28+$0x160 ss:$0x1], $0xffff  }
0x5a: {  	v31 =	vadd.f32 v8, v12;
	v32 =	vadd.f32 v9, v16;
	v8 =	vld.idx.msk [tilespmem:v3+s28+$0x170 ss:$0x1], $0xffff  }
0x5b: {  	v6 =	vadd.f32 v24, v10;
	v7 =	vadd.f32 v25, v19;
	v10 =	vld.idx.msk [tilespmem:v3+s28+$0x1E0 ss:$0x1], $0xffff  }
0x5c: {  	v9 =	vadd.f32 v26, v17;
	v12 =	vadd.f32 v27, v13;
	v13 =	vld.idx.msk [tilespmem:v3+s28+$0x1F0 ss:$0x1], $0xffff  }
0x5d: {  	v16 =	vadd.f32 v20, v6;
	v7 =	vadd.f32 v21, v7;
	v17 =	vld.idx.msk [tilespmem:v3+s28+$0x260 ss:$0x1], $0xffff  }
0x5e: {  	v9 =	vadd.f32 v28, v9;
	v12 =	vadd.f32 v22, v12;
	v18 =	vld.idx.msk [tilespmem:v3+s28+$0x270 ss:$0x1], $0xffff;
	s28 =	sshra.s32 s29, $0x2  }
0x5f: {  	v14 =	vadd.f32 v14, v16;
	v11 =	vadd.f32 v11, v7;
	v6 =	vld.idx.msk [tilespmem:v3+s28+$0x200 ss:$0x1], $0xffff  }
0x60: {  	v15 =	vadd.f32 v15, v9;
	v12 =	vadd.f32 v8, v12;
	v7 =	vld.idx.msk [tilespmem:v3+s28+$0x210 ss:$0x1], $0xffff  }
0x61: {  	v5 =	vadd.f32 v5, v14;
	v4 =	vadd.f32 v4, v11;
	v8 =	vld.idx.msk [tilespmem:v3+s28+$0x220 ss:$0x1], $0xffff  }
0x62: {  	v11 =	vadd.f32 v10, v15;
	v12 =	vadd.f32 v13, v12;
	v9 =	vld.idx.msk [tilespmem:v3+s28+$0x230 ss:$0x1], $0xffff  }
0x63: {  	v10 =	vadd.f32 v2, v5;
	v19 =	vadd.f32 v1, v4;
	v2 =	vld.idx.msk [tilespmem:v3+s28+$0x240 ss:$0x1], $0xffff  }
0x64: {  	v17 =	vadd.f32 v17, v11;
	v13 =	vadd.f32 v18, v12;
	v1 =	vld.idx.msk [tilespmem:v3+s28+$0x250 ss:$0x1], $0xffff  }
0x65: {  	v15 =	vld.idx.msk [tilespmem:v3+s28+$0x180 ss:$0x1], $0xffff  }
0x66: {  	v18 =	vld.idx.msk [tilespmem:v3+s28+$0x190 ss:$0x1], $0xffff  }
0x67: {  	v12 =	vld.idx.msk [tilespmem:v3+s28+$0x1A0 ss:$0x1], $0xffff  }
0x68: {  	v16 =	vld.idx.msk [tilespmem:v3+s28+$0x1B0 ss:$0x1], $0xffff  }
0x69: {  	v5 =	vld.idx.msk [tilespmem:v3+s28+$0x1C0 ss:$0x1], $0xffff  }
0x6a: {  	v4 =	vld.idx.msk [tilespmem:v3+s28+$0x1D0 ss:$0x1], $0xffff  }
0x6b: {  	v26 =	vld.idx.msk [tilespmem:v3+s28+$0x100 ss:$0x1], $0xffff  }
0x6c: {  	v33 =	vld.idx.msk [tilespmem:v3+s28+$0x110 ss:$0x1], $0xffff  }
0x6d: {  	v22 =	vld.idx.msk [tilespmem:v3+s28+$0x120 ss:$0x1], $0xffff  }
0x6e: {  	v23 =	vld.idx.msk [tilespmem:v3+s28+$0x130 ss:$0x1], $0xffff  }
0x6f: {  	v24 =	vld.idx.msk [tilespmem:v3+s28+$0x80 ss:$0x1], $0xffff  }
0x70: {  	v25 =	vld.idx.msk [tilespmem:v3+s28+$0x90 ss:$0x1], $0xffff  }
0x71: {  	v20 =	vld.idx.msk [tilespmem:v3+s28+$0x0 ss:$0x1], $0xffff  }
0x72: {  	v21 =	vld.idx.msk [tilespmem:v3+s28+$0x10 ss:$0x1], $0xffff  }
0x73: {  	v27 =	vld.idx.msk [tilespmem:v3+s28+$0x20 ss:$0x1], $0xffff  }
0x74: {  	v28 =	vld.idx.msk [tilespmem:v3+s28+$0x30 ss:$0x1], $0xffff  }
0x75: {  	v34 =	vld.idx.msk [tilespmem:v3+s28+$0xA0 ss:$0x1], $0xffff  }
0x76: {  	v35 =	vld.idx.msk [tilespmem:v3+s28+$0xB0 ss:$0x1], $0xffff  }
0x77: {  	v14 =	vld.idx.msk [tilespmem:v3+s28+$0x140 ss:$0x1], $0xffff  }
0x78: {  	v11 =	vld.idx.msk [tilespmem:v3+s28+$0x150 ss:$0x1], $0xffff  }
.Ltmp0:
0x79: {  	v29 =	vadd.f32 v20, v29;
	v30 =	vadd.f32 v21, v30;
	v20 =	vld.idx.msk [tilespmem:v3+s28+$0xC0 ss:$0x1], $0xffff;
	(pc) =	sbr.rel @p0 .LBB2_4-.Ltmp0, $4  }
0x7a: {  	v27 =	vadd.f32 v27, v31;
	v28 =	vadd.f32 v28, v32;
	v21 =	vld.idx.msk [tilespmem:v3+s28+$0xD0 ss:$0x1], $0xffff  }
0x7b: {  	v29 =	vadd.f32 v24, v29;
	v30 =	vadd.f32 v25, v30;
	v24 =	vld.idx.msk [tilespmem:v3+s28+$0x40 ss:$0x1], $0xffff  }
0x7c: {  	v27 =	vadd.f32 v34, v27;
	v28 =	vadd.f32 v35, v28;
	v25 =	vld.idx.msk [tilespmem:v3+s28+$0x50 ss:$0x1], $0xffff  }
0x7d: {  	s29 =	sadd.s32 $0xA00, s29;
	v29 =	vadd.f32 v26, v29;
	v30 =	vadd.f32 v33, v30;
	v26 =	vld.idx.msk [tilespmem:v3+s28+$0x60 ss:$0x1], $0xffff  }
0x7e: {  	_ =	sdelay $0x1  }
0x7f: {  	v22 =	vadd.f32 v22, v27;
	v23 =	vadd.f32 v23, v28  }
0x80: {  	v15 =	vadd.f32 v15, v29;
	v18 =	vadd.f32 v18, v30  }
0x81: {  	v50 =	vld.idx.msk [tilespmem:v3+s28+$0x70 ss:$0x1], $0xffff;
	v12 =	vadd.f32 v12, v22;
	v16 =	vadd.f32 v16, v23  }
0x82: {  	v51 =	vld.idx.msk [tilespmem:v3+s28+$0xE0 ss:$0x1], $0xffff;
	v10 =	vadd.f32 v24, v10;
	v6 =	vadd.f32 v6, v15  }
0x83: {  	v52 =	vld.idx.msk [tilespmem:v3+s28+$0xF0 ss:$0x1], $0xffff;
	v7 =	vadd.f32 v7, v18;
	v55 =	vadd.f32 v25, v19  }
0x84: {  	v53 =	vld.idx.msk [tilespmem:v3+s28+$0x160 ss:$0x1], $0xffff;
	v8 =	vadd.f32 v8, v12;
	v9 =	vadd.f32 v9, v16  }
0x85: {  	v54 =	vld.idx.msk [tilespmem:v3+s28+$0x170 ss:$0x1], $0xffff;
	v17 =	vadd.f32 v26, v17;
	v10 =	vadd.f32 v20, v10  }
0x86: {  	v56 =	vld.idx.msk [tilespmem:v3+s28+$0x1E0 ss:$0x1], $0xffff;
	v13 =	vadd.f32 v50, v13;
	v16 =	vadd.f32 v21, v55  }
0x87: {  	v57 =	vld.idx.msk [tilespmem:v3+s28+$0x1F0 ss:$0x1], $0xffff;
	s29 =	sshll.u32 s26, $0x7;
	v17 =	vadd.f32 v51, v17;
	v10 =	vadd.f32 v14, v10  }
0x88: {  	v58 =	vld.idx.msk [tilespmem:v3+s28+$0x260 ss:$0x1], $0xffff;
	s31 =	sand.u32 $0x3FFFFF80, s29;
	v13 =	vadd.f32 v52, v13;
	v11 =	vadd.f32 v11, v16  }
0x89: {  	v3 =	vld.idx.msk [tilespmem:v3+s28+$0x270 ss:$0x1], $0xffff;
	[tilespmem:v0+s31+$0x0 ss:$0x1] =	vst.idx.msk $0xffff, v6;
	v59 =	vadd.f32 v53, v17;
	v5 =	vadd.f32 v5, v10  }
0x8a: {  	s26 =	sadd.s32 $0x1, s26;
	[tilespmem:v0+s31+$0x10 ss:$0x1] =	vst.idx.msk $0xffff, v7;
	v60 =	vadd.f32 v54, v13;
	v4 =	vadd.f32 v4, v11  }
0x8b: {  	p0 =	sne.s32 s26, $0x8;
	[tilespmem:v0+s31+$0x20 ss:$0x1] =	vst.idx.msk $0xffff, v8;
	v61 =	vadd.f32 v56, v59;
	v2 =	vadd.f32 v2, v5  }
.Ltmp1:
0x8c: {  	[tilespmem:v0+s31+$0x30 ss:$0x1] =	vst.idx.msk $0xffff, v9;
	v62 =	vadd.f32 v57, v60;
	v1 =	vadd.f32 v1, v4;
	(pc) =	sbr.rel @p0 .LBB2_3-.Ltmp1, $4  }
0x8d: {  	v63 =	vadd.f32 v58, v61;
	[tilespmem:v0+s31+$0x40 ss:$0x1] =	vst.idx.msk $0xffff, v2  }
0x8e: {  	v2 =	vadd.f32 v3, v62;
	[tilespmem:v0+s31+$0x50 ss:$0x1] =	vst.idx.msk $0xffff, v1  }
0x8f: {  	[tilespmem:v0+s31+$0x60 ss:$0x1] =	vst.idx.msk $0xffff, v63  }
0x90: {  	[tilespmem:v0+s31+$0x70 ss:$0x1] =	vst.idx.msk $0xffff, v2  }
0x91: {  	p0 =	seq.s32 s24, $0x7  }
0x92: {  	s26 =	smul.u32 @!p0 $0xD00, s24;
	_ =	sdelay $0x1  }
0x93: {  	s26 =	sshra.s32 @!p0 s26, $0x2  }
0x94: {  	s29 =	simm.s32 @!p0 $0x64;
	s30 =	simm.s32 @!p0 $0x1A00;
	s28 =	sadd.s32 @!p0 $0x340, s26  }
0x95: {  	[tilespmem:s30], [sflag:$0x1] =	stream.indirect.gather @!p0 [hbm4b:s2+s29], $0x80, s28, s29, $0xb8;
	[tilespmem:$0x1EA00] =	vst v63  }
0x96: {  	s28 =	sadd.s32 @!p0 $0x3A8, s26;
	s30 =	simm.s32 @!p0 $0x4C00  }
0x97: {  	[tilespmem:s30], [sflag:$0x1] =	stream.indirect.gather @!p0 [hbm4b:s2+s29], $0x80, s28, s29, $0xb8;
	[tilespmem:$0x1EA00] =	vst v63  }
0x98: {  	s28 =	sadd.s32 @!p0 $0x410, s26;
	s30 =	simm.s32 @!p0 $0x7E00  }
0x99: {  	[tilespmem:s30], [sflag:$0x1] =	stream.indirect.gather @!p0 [hbm4b:s2+s29], $0x80, s28, s29, $0xb8;
	[tilespmem:$0x1EA00] =	vst v63  }
0x9a: {  	s26 =	sadd.s32 @!p0 $0x478, s26;
	s28 =	simm.s32 @!p0 $0xB000  }
0x9b: {  	[tilespmem:s28], [sflag:$0x1] =	stream.indirect.gather @!p0 [hbm4b:s2+s29], $0x80, s26, s29, $0xb8;
	[tilespmem:$0x1EA00] =	vst v63  }
0x9c: {  	_ =	swait.ge [sflag:s21], $0x3200  }
0x9d: {  	[sflag:s21] =	ssyncset.done $0x0  }
0x9e: {  	[sflag:s21] =	ssyncadd.s32 $0xFFFFCE00  }
0x9f: {  	_ =	swait.ge [sflag:s21], $0x3200  }
0xa0: {  	[sflag:s21] =	ssyncset.done $0x0  }
0xa1: {  	[sflag:s21] =	ssyncadd.s32 $0xFFFFCE00  }
0xa2: {  	_ =	swait.ge [sflag:s21], $0x3200  }
0xa3: {  	[sflag:s21] =	ssyncset.done $0x0  }
0xa4: {  	s25 =	sshll.u32 s25, $0xA;
	[sflag:s21] =	ssyncadd.s32 $0xFFFFCE00  }
0xa5: {  	s25 =	sand.u32 $0x3FFFFC00, s25;
	_ =	swait.ge [sflag:s21], $0x3200  }
0xa6: {  	s31 =	sadd.s32 $0x1AA00, s25;
	[sflag:s21] =	ssyncset.done $0x0  }
0xa7: {  	s25 =	simm.s32 $0x0;
	v0 =	vmov s31;
	[sflag:s21] =	ssyncadd.s32 $0xFFFFCE00  }
.LBB2_7:
0xa8: {  	s26 =	sshrl.u32 s25, $0x1;
	s28 =	sand.u32 $0x1, s25  }
0xa9: {  	s26 =	smul.u32 $0xC800, s26;
	p0 =	seq.s32 s28, $0x1;
	s28 =	simm.s32 $0x6400  }
0xaa: {  	s28 =	simm.s32 @!p0 $0x0  }
0xab: {  	s26 =	sadd.s32 s28, s26  }
0xac: {  	s26 =	sshra.s32 s26, $0x2  }
0xad: {  	s26 =	sadd.s32 $0xE200, s26  }
0xae: {  	v3 =	vmov s26;
	_ =	sdelay $0x3  }
0xaf: {  	s26 =	simm.s32 $0x0  }
0xb0: {  	v6 =	vld.idx.msk [tilespmem:v3+s26+$0x200 ss:$0x1], $0xffff  }
0xb1: {  	v7 =	vld.idx.msk [tilespmem:v3+s26+$0x210 ss:$0x1], $0xffff  }
0xb2: {  	v8 =	vld.idx.msk [tilespmem:v3+s26+$0x220 ss:$0x1], $0xffff  }
0xb3: {  	v9 =	vld.idx.msk [tilespmem:v3+s26+$0x230 ss:$0x1], $0xffff  }
0xb4: {  	v2 =	vld.idx.msk [tilespmem:v3+s26+$0x240 ss:$0x1], $0xffff  }
0xb5: {  	v1 =	vld.idx.msk [tilespmem:v3+s26+$0x250 ss:$0x1], $0xffff  }
0xb6: {  	v15 =	vld.idx.msk [tilespmem:v3+s26+$0x180 ss:$0x1], $0xffff  }
0xb7: {  	v18 =	vld.idx.msk [tilespmem:v3+s26+$0x190 ss:$0x1], $0xffff  }
0xb8: {  	v12 =	vld.idx.msk [tilespmem:v3+s26+$0x1A0 ss:$0x1], $0xffff  }
0xb9: {  	v16 =	vld.idx.msk [tilespmem:v3+s26+$0x1B0 ss:$0x1], $0xffff  }
0xba: {  	v5 =	vld.idx.msk [tilespmem:v3+s26+$0x1C0 ss:$0x1], $0xffff  }
0xbb: {  	v4 =	vld.idx.msk [tilespmem:v3+s26+$0x1D0 ss:$0x1], $0xffff  }
0xbc: {  	v13 =	vld.idx.msk [tilespmem:v3+s26+$0x100 ss:$0x1], $0xffff  }
0xbd: {  	v17 =	vld.idx.msk [tilespmem:v3+s26+$0x110 ss:$0x1], $0xffff  }
0xbe: {  	v22 =	vld.idx.msk [tilespmem:v3+s26+$0x120 ss:$0x1], $0xffff  }
0xbf: {  	v23 =	vld.idx.msk [tilespmem:v3+s26+$0x130 ss:$0x1], $0xffff  }
0xc0: {  	v19 =	vld.idx.msk [tilespmem:v3+s26+$0x80 ss:$0x1], $0xffff  }
0xc1: {  	v24 =	vld.idx.msk [tilespmem:v3+s26+$0x90 ss:$0x1], $0xffff  }
0xc2: {  	v20 =	vld.idx.msk [tilespmem:v3+s26+$0x0 ss:$0x1], $0xffff  }
0xc3: {  	v21 =	vld.idx.msk [tilespmem:v3+s26+$0x10 ss:$0x1], $0xffff  }
0xc4: {  	v25 =	vld.idx.msk [tilespmem:v3+s26+$0x20 ss:$0x1], $0xffff  }
0xc5: {  	v26 =	vld.idx.msk [tilespmem:v3+s26+$0x30 ss:$0x1], $0xffff  }
0xc6: {  	v27 =	vld.idx.msk [tilespmem:v3+s26+$0xA0 ss:$0x1], $0xffff  }
0xc7: {  	v28 =	vld.idx.msk [tilespmem:v3+s26+$0xB0 ss:$0x1], $0xffff  }
0xc8: {  	v10 =	vimm.f32 $0.0e+00;
	v14 =	vld.idx.msk [tilespmem:v3+s26+$0x140 ss:$0x1], $0xffff  }
0xc9: {  	v11 =	vld.idx.msk [tilespmem:v3+s26+$0x150 ss:$0x1], $0xffff;
	v29 =	vadd.f32 v20, v10;
	v30 =	vadd.f32 v21, v10  }
0xca: {  	v20 =	vld.idx.msk [tilespmem:v3+s26+$0xC0 ss:$0x1], $0xffff;
	v25 =	vadd.f32 v25, v10;
	v26 =	vadd.f32 v26, v10  }
0xcb: {  	v21 =	vld.idx.msk [tilespmem:v3+s26+$0xD0 ss:$0x1], $0xffff;
	v19 =	vadd.f32 v19, v29;
	v30 =	vadd.f32 v24, v30  }
0xcc: {  	v24 =	vld.idx.msk [tilespmem:v3+s26+$0x40 ss:$0x1], $0xffff;
	v27 =	vadd.f32 v27, v25;
	v28 =	vadd.f32 v28, v26  }
0xcd: {  	v25 =	vld.idx.msk [tilespmem:v3+s26+$0x50 ss:$0x1], $0xffff;
	v29 =	vadd.f32 v13, v19;
	v30 =	vadd.f32 v17, v30  }
0xce: {  	s28 =	simm.s32 $0xA00;
	v26 =	vld.idx.msk [tilespmem:v3+s26+$0x60 ss:$0x1], $0xffff;
	v19 =	vimm.f32 $0.0e+00;
	v17 =	vimm.f32 $0.0e+00;
	v13 =	vimm.f32 $0.0e+00  }
.LBB2_8:
0xcf: {  	p0 =	sne.s32 s28, $0x5A00;
	v22 =	vadd.f32 v22, v27;
	v23 =	vadd.f32 v23, v28;
	v27 =	vld.idx.msk [tilespmem:v3+s26+$0x70 ss:$0x1], $0xffff  }
0xd0: {  	v15 =	vadd.f32 v15, v29;
	v18 =	vadd.f32 v18, v30;
	v28 =	vld.idx.msk [tilespmem:v3+s26+$0xE0 ss:$0x1], $0xffff  }
0xd1: {  	v12 =	vadd.f32 v12, v22;
	v16 =	vadd.f32 v16, v23;
	v22 =	vld.idx.msk [tilespmem:v3+s26+$0xF0 ss:$0x1], $0xffff  }
0xd2: {  	v29 =	vadd.f32 v6, v15;
	v30 =	vadd.f32 v7, v18;
	v15 =	vld.idx.msk [tilespmem:v3+s26+$0x160 ss:$0x1], $0xffff  }
0xd3: {  	v31 =	vadd.f32 v8, v12;
	v32 =	vadd.f32 v9, v16;
	v8 =	vld.idx.msk [tilespmem:v3+s26+$0x170 ss:$0x1], $0xffff  }
0xd4: {  	v6 =	vadd.f32 v24, v10;
	v7 =	vadd.f32 v25, v19;
	v10 =	vld.idx.msk [tilespmem:v3+s26+$0x1E0 ss:$0x1], $0xffff  }
0xd5: {  	v9 =	vadd.f32 v26, v17;
	v12 =	vadd.f32 v27, v13;
	v13 =	vld.idx.msk [tilespmem:v3+s26+$0x1F0 ss:$0x1], $0xffff  }
0xd6: {  	v16 =	vadd.f32 v20, v6;
	v7 =	vadd.f32 v21, v7;
	v17 =	vld.idx.msk [tilespmem:v3+s26+$0x260 ss:$0x1], $0xffff  }
0xd7: {  	v9 =	vadd.f32 v28, v9;
	v12 =	vadd.f32 v22, v12;
	v18 =	vld.idx.msk [tilespmem:v3+s26+$0x270 ss:$0x1], $0xffff;
	s26 =	sshra.s32 s28, $0x2  }
0xd8: {  	v14 =	vadd.f32 v14, v16;
	v11 =	vadd.f32 v11, v7;
	v6 =	vld.idx.msk [tilespmem:v3+s26+$0x200 ss:$0x1], $0xffff  }
0xd9: {  	v15 =	vadd.f32 v15, v9;
	v12 =	vadd.f32 v8, v12;
	v7 =	vld.idx.msk [tilespmem:v3+s26+$0x210 ss:$0x1], $0xffff  }
0xda: {  	v5 =	vadd.f32 v5, v14;
	v4 =	vadd.f32 v4, v11;
	v8 =	vld.idx.msk [tilespmem:v3+s26+$0x220 ss:$0x1], $0xffff  }
0xdb: {  	v11 =	vadd.f32 v10, v15;
	v12 =	vadd.f32 v13, v12;
	v9 =	vld.idx.msk [tilespmem:v3+s26+$0x230 ss:$0x1], $0xffff  }
0xdc: {  	v10 =	vadd.f32 v2, v5;
	v19 =	vadd.f32 v1, v4;
	v2 =	vld.idx.msk [tilespmem:v3+s26+$0x240 ss:$0x1], $0xffff  }
0xdd: {  	v17 =	vadd.f32 v17, v11;
	v13 =	vadd.f32 v18, v12;
	v1 =	vld.idx.msk [tilespmem:v3+s26+$0x250 ss:$0x1], $0xffff  }
0xde: {  	v15 =	vld.idx.msk [tilespmem:v3+s26+$0x180 ss:$0x1], $0xffff  }
0xdf: {  	v18 =	vld.idx.msk [tilespmem:v3+s26+$0x190 ss:$0x1], $0xffff  }
0xe0: {  	v12 =	vld.idx.msk [tilespmem:v3+s26+$0x1A0 ss:$0x1], $0xffff  }
0xe1: {  	v16 =	vld.idx.msk [tilespmem:v3+s26+$0x1B0 ss:$0x1], $0xffff  }
0xe2: {  	v5 =	vld.idx.msk [tilespmem:v3+s26+$0x1C0 ss:$0x1], $0xffff  }
0xe3: {  	v4 =	vld.idx.msk [tilespmem:v3+s26+$0x1D0 ss:$0x1], $0xffff  }
0xe4: {  	v26 =	vld.idx.msk [tilespmem:v3+s26+$0x100 ss:$0x1], $0xffff  }
0xe5: {  	v33 =	vld.idx.msk [tilespmem:v3+s26+$0x110 ss:$0x1], $0xffff  }
0xe6: {  	v22 =	vld.idx.msk [tilespmem:v3+s26+$0x120 ss:$0x1], $0xffff  }
0xe7: {  	v23 =	vld.idx.msk [tilespmem:v3+s26+$0x130 ss:$0x1], $0xffff  }
0xe8: {  	v24 =	vld.idx.msk [tilespmem:v3+s26+$0x80 ss:$0x1], $0xffff  }
0xe9: {  	v25 =	vld.idx.msk [tilespmem:v3+s26+$0x90 ss:$0x1], $0xffff  }
0xea: {  	v20 =	vld.idx.msk [tilespmem:v3+s26+$0x0 ss:$0x1], $0xffff  }
0xeb: {  	v21 =	vld.idx.msk [tilespmem:v3+s26+$0x10 ss:$0x1], $0xffff  }
0xec: {  	v27 =	vld.idx.msk [tilespmem:v3+s26+$0x20 ss:$0x1], $0xffff  }
0xed: {  	v28 =	vld.idx.msk [tilespmem:v3+s26+$0x30 ss:$0x1], $0xffff  }
0xee: {  	v34 =	vld.idx.msk [tilespmem:v3+s26+$0xA0 ss:$0x1], $0xffff  }
0xef: {  	v35 =	vld.idx.msk [tilespmem:v3+s26+$0xB0 ss:$0x1], $0xffff  }
0xf0: {  	v14 =	vld.idx.msk [tilespmem:v3+s26+$0x140 ss:$0x1], $0xffff  }
0xf1: {  	v11 =	vld.idx.msk [tilespmem:v3+s26+$0x150 ss:$0x1], $0xffff  }
.Ltmp2:
0xf2: {  	v29 =	vadd.f32 v20, v29;
	v30 =	vadd.f32 v21, v30;
	v20 =	vld.idx.msk [tilespmem:v3+s26+$0xC0 ss:$0x1], $0xffff;
	(pc) =	sbr.rel @p0 .LBB2_8-.Ltmp2, $4  }
0xf3: {  	v27 =	vadd.f32 v27, v31;
	v28 =	vadd.f32 v28, v32;
	v21 =	vld.idx.msk [tilespmem:v3+s26+$0xD0 ss:$0x1], $0xffff  }
0xf4: {  	v29 =	vadd.f32 v24, v29;
	v30 =	vadd.f32 v25, v30;
	v24 =	vld.idx.msk [tilespmem:v3+s26+$0x40 ss:$0x1], $0xffff  }
0xf5: {  	v27 =	vadd.f32 v34, v27;
	v28 =	vadd.f32 v35, v28;
	v25 =	vld.idx.msk [tilespmem:v3+s26+$0x50 ss:$0x1], $0xffff  }
0xf6: {  	s28 =	sadd.s32 $0xA00, s28;
	v29 =	vadd.f32 v26, v29;
	v30 =	vadd.f32 v33, v30;
	v26 =	vld.idx.msk [tilespmem:v3+s26+$0x60 ss:$0x1], $0xffff  }
0xf7: {  	_ =	sdelay $0x1  }
0xf8: {  	v22 =	vadd.f32 v22, v27;
	v23 =	vadd.f32 v23, v28  }
0xf9: {  	v15 =	vadd.f32 v15, v29;
	v18 =	vadd.f32 v18, v30  }
0xfa: {  	v50 =	vld.idx.msk [tilespmem:v3+s26+$0x70 ss:$0x1], $0xffff;
	v12 =	vadd.f32 v12, v22;
	v16 =	vadd.f32 v16, v23  }
0xfb: {  	v51 =	vld.idx.msk [tilespmem:v3+s26+$0xE0 ss:$0x1], $0xffff;
	v10 =	vadd.f32 v24, v10;
	v6 =	vadd.f32 v6, v15  }
0xfc: {  	v52 =	vld.idx.msk [tilespmem:v3+s26+$0xF0 ss:$0x1], $0xffff;
	v7 =	vadd.f32 v7, v18;
	v55 =	vadd.f32 v25, v19  }
0xfd: {  	v53 =	vld.idx.msk [tilespmem:v3+s26+$0x160 ss:$0x1], $0xffff;
	v8 =	vadd.f32 v8, v12;
	v9 =	vadd.f32 v9, v16  }
0xfe: {  	v54 =	vld.idx.msk [tilespmem:v3+s26+$0x170 ss:$0x1], $0xffff;
	v17 =	vadd.f32 v26, v17;
	v10 =	vadd.f32 v20, v10  }
0xff: {  	v56 =	vld.idx.msk [tilespmem:v3+s26+$0x1E0 ss:$0x1], $0xffff;
	v13 =	vadd.f32 v50, v13;
	v16 =	vadd.f32 v21, v55  }
0x100: {  	v57 =	vld.idx.msk [tilespmem:v3+s26+$0x1F0 ss:$0x1], $0xffff;
	s28 =	sshll.u32 s25, $0x7;
	v17 =	vadd.f32 v51, v17;
	v10 =	vadd.f32 v14, v10  }
0x101: {  	v58 =	vld.idx.msk [tilespmem:v3+s26+$0x260 ss:$0x1], $0xffff;
	s31 =	sand.u32 $0x3FFFFF80, s28;
	v13 =	vadd.f32 v52, v13;
	v11 =	vadd.f32 v11, v16  }
0x102: {  	v3 =	vld.idx.msk [tilespmem:v3+s26+$0x270 ss:$0x1], $0xffff;
	[tilespmem:v0+s31+$0x0 ss:$0x1] =	vst.idx.msk $0xffff, v6;
	v59 =	vadd.f32 v53, v17;
	v5 =	vadd.f32 v5, v10  }
0x103: {  	s25 =	sadd.s32 $0x1, s25;
	[tilespmem:v0+s31+$0x10 ss:$0x1] =	vst.idx.msk $0xffff, v7;
	v60 =	vadd.f32 v54, v13;
	v4 =	vadd.f32 v4, v11  }
0x104: {  	p0 =	sne.s32 s25, $0x8;
	[tilespmem:v0+s31+$0x20 ss:$0x1] =	vst.idx.msk $0xffff, v8;
	v61 =	vadd.f32 v56, v59;
	v2 =	vadd.f32 v2, v5  }
.Ltmp3:
0x105: {  	[tilespmem:v0+s31+$0x30 ss:$0x1] =	vst.idx.msk $0xffff, v9;
	v62 =	vadd.f32 v57, v60;
	v1 =	vadd.f32 v1, v4;
	(pc) =	sbr.rel @p0 .LBB2_7-.Ltmp3, $4  }
0x106: {  	v63 =	vadd.f32 v58, v61;
	[tilespmem:v0+s31+$0x40 ss:$0x1] =	vst.idx.msk $0xffff, v2  }
0x107: {  	v2 =	vadd.f32 v3, v62;
	[tilespmem:v0+s31+$0x50 ss:$0x1] =	vst.idx.msk $0xffff, v1  }
0x108: {  	[tilespmem:v0+s31+$0x60 ss:$0x1] =	vst.idx.msk $0xffff, v63  }
0x109: {  	[tilespmem:v0+s31+$0x70 ss:$0x1] =	vst.idx.msk $0xffff, v2  }
0x10a: {  	s24 =	sadd.s32 $0x1, s24  }
0x10b: {  	p0 =	sne.s32 s24, $0x8  }
.Ltmp4:
0x10c: {  	_ = 	snop;
	(pc) =	sbr.rel @p0 .LBB2_2-.Ltmp4, $1  }
0x10d: {  	_ =	sdelay $0x3  }
0x10e: {  	s23 =	sadd.s32 $0x1, s23  }
0x10f: {  	p0 =	sne.s32 s23, s6  }
.Ltmp5:
0x110: {  	_ = 	snop;
	(pc) =	sbr.rel @p0 .LBB2_1-.Ltmp5, $4  }
0x111: {  	[hbm4b:s5+s3] =	stream.linear.scatter [tilespmem:s22], [sflag:$0x3], $0x4000, $0x38;
	[tilespmem:$0x1EA00] =	vst v63  }
0x112: {  	_ =	swait.ge [sflag:s7], $0x4000  }
0x113: {  	[sflag:s7] =	ssyncset.done $0x0  }
0x114: {  	[sflag:s7] =	ssyncadd.s32 $0xFFFFC000  }
0x115: {  	_ =	sfence.sel $0x180000  }
0x116: {  	[bflag:$0x0] =	sbarrier.arrive $0xFFFF  }
0x117: {  	p0 =	sne.s32 s0, $0x0;
	_ =	strace $0x90000047  }
0x118: {  	s0 =	sadd.s32 @!p0 $0x100000, s1;
	[bflag:$0x2] =	sbarrier.arrive $0xFFFF  }
0x119: {  	[sflag:s0] =	ssyncadd.tile.s32 @!p0 $0x1;
	_ =	shalt  }
.Lfunc_end2:
_tile_overlayer_lowered:
.L_overlay_start_2:
0x11a: {  	(tag) =	ssettag $0x2  }
0x11b: {  	s0 =	rddreg [dreg:$0x0];
	s2 =	stileid.u32  }
0x11c: {  	s1 =	rddreg [dreg:$0x1];
	p0 =	sne.s32 s2, $0x0  }
0x11d: {  	s3 =	rddreg [dreg:$0x2];
	[bflag:$0x3] =	sbarrier.arrive $0xFFFF;
	s2 =	simm.s32 @!p0 $0x1C03  }
0x11e: {  	[timem:s3], [sflag:s2] =	dma.local @!p0 [hbm:s0], s1  }
0x11f: {  	s0 =	simm.s32 @!p0 $0x3  }
0x120: {  	_ =	swait.ge @!p0 [sflag:s0], s1  }
0x121: {  	s1 =	ssub.s32 @!p0 $0x0, s1;
	[sflag:s0] =	ssyncset.done @!p0 $0x0  }
0x122: {  	[sflag:s0] =	ssyncadd.s32 @!p0 s1  }
0x123: {  	[bflag:$0x3] =	sbarrier.arrive $0xFFFF  }
0x124: {  	_ =	shalt  }

</sc_bundles>
